<compile_context>
chip_gen: v7x
topology: tpu7x:2x2x1
jax: 0.10.2.dev20260603
libtpu: 0.0.44.dev20260713+nightly
codegen_flags: <defaults>
</compile_context>

<pallas_src>
import functools

import jax
import jax.numpy as jnp
from jax import lax
from jax.experimental import pallas as pl
from jax.experimental.pallas import tpu as pltpu
from jax.experimental.pallas import tpu_sc as plsc

D_VOCAB = 100000
D_MODEL = 1024
BATCH = 4
SEQ = 4096

NC = 2
NS = 16
NW = NC * NS

B = BATCH * SEQ
B_PER_W = B // NW
K = 16
NBUF = 4
N_CHUNKS = B_PER_W // K
N_WAVES = N_CHUNKS // NBUF


def _embed_body(idx_hbm, tbl_hbm, out_hbm, idx_v, buf, in_sem, out_sem):
  cid = lax.axis_index("c")
  sid = lax.axis_index("s")
  wid = sid * NC + cid
  base = wid * B_PER_W

  pltpu.sync_copy(idx_hbm.at[wid], idx_v)

  def start_gather(c, slot):
    pltpu.async_copy(tbl_hbm.at[idx_v.at[c]], buf.at[slot], in_sem.at[slot])

  for b in range(NBUF):
    start_gather(b, b)

  def wave(g, issue_next):
    for b in range(NBUF):
      c = g * NBUF + b
      pltpu.make_async_copy(tbl_hbm.at[idx_v.at[c]], buf.at[b],
                            in_sem.at[b]).wait()
      dst = out_hbm.at[pl.ds(base + c * K, K)]
      pltpu.async_copy(buf.at[b], dst, out_sem.at[b])
      pltpu.make_async_copy(buf.at[b], dst, out_sem.at[b]).wait()
      if issue_next:
        start_gather(c + NBUF, b)

  lax.fori_loop(0, N_WAVES - 1, lambda g, _: (wave(g, True), 0)[1], 0)
  wave(N_WAVES - 1, False)


@jax.jit
def _embed(tokens_idx, embed):
  mesh = plsc.VectorSubcoreMesh(core_axis_name="c", subcore_axis_name="s")
  run = pl.kernel(
      _embed_body,
      out_type=jax.ShapeDtypeStruct((B, D_MODEL), jnp.float32),
      mesh=mesh,
      scratch_types=[
          pltpu.VMEM((N_CHUNKS, K), jnp.int32),
          pltpu.VMEM((NBUF, K, D_MODEL), jnp.float32),
          pltpu.SemaphoreType.DMA((NBUF,)),
          pltpu.SemaphoreType.DMA((NBUF,)),
      ],
  )
  return run(tokens_idx, embed)


def kernel(tokens, embed):
  idx = tokens.reshape(NW, N_CHUNKS, K).astype(jnp.int32)
  out = _embed(idx, embed)
  return out.reshape(BATCH, SEQ, D_MODEL)

# --- scband reference (transcript-rebuilt; emitter-appended) ---
"""Pipeline reference for scband-embed-59700045414491 (READ-ONLY COPY).

The authoritative reference and input builder live on the scoring server;
editing this copy changes nothing except your own understanding.
"""

import jax, jax.numpy as jnp
import numpy as np

D_VOCAB = 100000
D_MODEL = 1024
INIT_RANGE = 0.02
BATCH = 4
SEQ = 4096

def setup_inputs(seed: int = 0) -> dict:
    key = jax.random.key(seed)
    k_tok, k_emb = jax.random.split(key)
    tokens = jax.random.randint(k_tok, (BATCH, SEQ), 0, D_VOCAB, dtype=jnp.int64 if jax.config.jax_enable_x64 else jnp.int32)
    embed = jax.random.normal(k_emb, (D_VOCAB, D_MODEL), dtype=jnp.float32) * INIT_RANGE
    return {"tokens": tokens, "embed": embed}

def reference(tokens, embed):
    # Faithful translation of: return self.embed[tokens]
    return jnp.take(embed, tokens, axis=0)

if __name__ == "__main__":
    import jax
    _d = setup_inputs()
    print(jax.jit(kernel)(*tuple(_d.values())))

</pallas_src>

<mosaic_0001>
#map = affine_map<(d0, d1) -> (0, 0, 0)>
#map1 = affine_map<(d0, d1) -> (0, 0)>
module attributes {stable_mosaic.version = 14 : i64} {
  func.func @_embed_body(%arg0: i32, %arg1: i32, %arg2: memref<32x32x16xi32, #tpu.memory_space<hbm>>, %arg3: memref<100000x1024xf32, #tpu.memory_space<hbm>>, %arg4: memref<16384x1024xf32, #tpu.memory_space<hbm>>, %arg5: memref<32x16xi32, #tpu.memory_space<vmem>>, %arg6: memref<4x16x1024xf32, #tpu.memory_space<vmem>>, %arg7: memref<4x!tpu.dma_semaphore, #tpu.memory_space<semaphore_mem>>, %arg8: memref<4x!tpu.dma_semaphore, #tpu.memory_space<semaphore_mem>>) attributes {dimension_semantics = [#tpu.dimension_semantics<core_parallel>, #tpu.dimension_semantics<subcore_parallel>], iteration_bounds = array<i64: 2, 16>, scalar_prefetch = 0 : i64, scratch_operands = 4 : i64, tpu.core_type = #tpu.core_type<sc_vector_subcore>, window_params = [{transform_indices = #map}, {transform_indices = #map1}, {transform_indices = #map1}]} {
    %mul3A = arith.constant 2 : i32
    %mul3A_0 = arith.muli %arg1, %mul3A : i32
    %add3A = arith.addi %mul3A_0, %arg0 : i32
    %mul3A_1 = arith.constant 512 : i32
    %mul3A_2 = arith.muli %add3A, %mul3A_1 : i32
    "tpu.region"() ({
      %run_scoped3A = tpu.sem_alloc : memref<!tpu.dma_semaphore, #tpu.memory_space<semaphore_mem>>
      %dma_start3A_263 = arith.constant 0 : i32
      %dma_start3A_264 = arith.constant 0 : i32
      %dma_start3A_265 = tpu.memref_slice %arg2[%add3A, %dma_start3A_263, %dma_start3A_264] : memref<32x32x16xi32, #tpu.memory_space<hbm>> -> memref<1x32x16xi32, #tpu.memory_space<hbm>>
      %dma_start3A_266 = tpu.memref_squeeze %dma_start3A_265 : memref<1x32x16xi32, #tpu.memory_space<hbm>> -> memref<32x16xi32, #tpu.memory_space<hbm>>
      %dma_start3A_267 = arith.constant 0 : i32
      %dma_start3A_268 = arith.constant 0 : i32
      %dma_start3A_269 = tpu.memref_slice %arg2[%add3A, %dma_start3A_267, %dma_start3A_268] : memref<32x32x16xi32, #tpu.memory_space<hbm>> -> memref<1x32x16xi32, #tpu.memory_space<hbm>>
      %dma_start3A_270 = tpu.memref_squeeze %dma_start3A_269 : memref<1x32x16xi32, #tpu.memory_space<hbm>> -> memref<32x16xi32, #tpu.memory_space<hbm>>
      tpu.enqueue_dma source(%dma_start3A_270 : memref<32x16xi32, #tpu.memory_space<hbm>>) target(%arg5 : memref<32x16xi32, #tpu.memory_space<vmem>>) target_semaphore(%run_scoped3A : memref<!tpu.dma_semaphore, #tpu.memory_space<semaphore_mem>>)
      %dma_wait3A_271 = arith.constant 0 : i32
      %dma_wait3A_272 = arith.constant 0 : i32
      %dma_wait3A_273 = tpu.memref_slice %arg2[%add3A, %dma_wait3A_271, %dma_wait3A_272] : memref<32x32x16xi32, #tpu.memory_space<hbm>> -> memref<1x32x16xi32, #tpu.memory_space<hbm>>
      %dma_wait3A_274 = tpu.memref_squeeze %dma_wait3A_273 : memref<1x32x16xi32, #tpu.memory_space<hbm>> -> memref<32x16xi32, #tpu.memory_space<hbm>>
      %dma_wait3A_275 = arith.constant 0 : i32
      %dma_wait3A_276 = arith.constant 0 : i32
      %dma_wait3A_277 = tpu.memref_slice %arg2[%add3A, %dma_wait3A_275, %dma_wait3A_276] : memref<32x32x16xi32, #tpu.memory_space<hbm>> -> memref<1x32x16xi32, #tpu.memory_space<hbm>>
      %dma_wait3A_278 = tpu.memref_squeeze %dma_wait3A_277 : memref<1x32x16xi32, #tpu.memory_space<hbm>> -> memref<32x16xi32, #tpu.memory_space<hbm>>
      tpu.wait_dma2 semaphore(%run_scoped3A : memref<!tpu.dma_semaphore, #tpu.memory_space<semaphore_mem>>) src(%dma_wait3A_278 : memref<32x16xi32, #tpu.memory_space<hbm>>) dst(%arg5 : memref<32x16xi32, #tpu.memory_space<vmem>>)
      tpu.yield
    }) : () -> ()
    %dma_start3A = arith.constant 0 : i32
    %dma_start3A_3 = arith.constant 0 : i32
    %dma_start3A_4 = arith.constant 0 : i32
    %dma_start3A_5 = arith.constant 0 : i32
    %dma_start3A_6 = arith.constant 0 : i32
    %dma_start3A_7 = tpu.memref_slice %arg6[%dma_start3A_3, %dma_start3A_5, %dma_start3A_6] : memref<4x16x1024xf32, #tpu.memory_space<vmem>> -> memref<1x16x1024xf32, #tpu.memory_space<vmem>>
    %dma_start3A_8 = tpu.memref_squeeze %dma_start3A_7 : memref<1x16x1024xf32, #tpu.memory_space<vmem>> -> memref<16x1024xf32, #tpu.memory_space<vmem>>
    %dma_start3A_9 = arith.constant 0 : i32
    %dma_start3A_10 = tpu.memref_slice %arg5[%dma_start3A, %dma_start3A_9] : memref<32x16xi32, #tpu.memory_space<vmem>> -> memref<1x16xi32, #tpu.memory_space<vmem>>
    %dma_start3A_11 = tpu.memref_squeeze %dma_start3A_10 : memref<1x16xi32, #tpu.memory_space<vmem>> -> memref<16xi32, #tpu.memory_space<vmem>>
    %dma_start3A_12 = arith.constant 0 : i32
    %dma_start3A_13 = arith.constant 0 : i32
    %dma_start3A_14 = tpu.memref_slice %arg3[%dma_start3A_12, %dma_start3A_13] : memref<100000x1024xf32, #tpu.memory_space<hbm>> -> memref<100000x1024xf32, #tpu.memory_space<hbm>>
    %dma_start3A_15 = tpu.memref_slice %arg7[%dma_start3A_4] : memref<4x!tpu.dma_semaphore, #tpu.memory_space<semaphore_mem>> -> memref<1x!tpu.dma_semaphore, #tpu.memory_space<semaphore_mem>>
    %dma_start3A_16 = tpu.memref_squeeze %dma_start3A_15 : memref<1x!tpu.dma_semaphore, #tpu.memory_space<semaphore_mem>> -> memref<!tpu.dma_semaphore, #tpu.memory_space<semaphore_mem>>
    tpu.enqueue_indirect_dma source(%dma_start3A_14 : memref<100000x1024xf32, #tpu.memory_space<hbm>>) target(%dma_start3A_8 : memref<16x1024xf32, #tpu.memory_space<vmem>>) offsets(%dma_start3A_11 : memref<16xi32, #tpu.memory_space<vmem>>) semaphore(%dma_start3A_16 : memref<!tpu.dma_semaphore, #tpu.memory_space<semaphore_mem>>)
    %dma_start3A_17 = arith.constant 1 : i32
    %dma_start3A_18 = arith.constant 1 : i32
    %dma_start3A_19 = arith.constant 1 : i32
    %dma_start3A_20 = arith.constant 0 : i32
    %dma_start3A_21 = arith.constant 0 : i32
    %dma_start3A_22 = tpu.memref_slice %arg6[%dma_start3A_18, %dma_start3A_20, %dma_start3A_21] : memref<4x16x1024xf32, #tpu.memory_space<vmem>> -> memref<1x16x1024xf32, #tpu.memory_space<vmem>>
    %dma_start3A_23 = tpu.memref_squeeze %dma_start3A_22 : memref<1x16x1024xf32, #tpu.memory_space<vmem>> -> memref<16x1024xf32, #tpu.memory_space<vmem>>
    %dma_start3A_24 = arith.constant 0 : i32
    %dma_start3A_25 = tpu.memref_slice %arg5[%dma_start3A_17, %dma_start3A_24] : memref<32x16xi32, #tpu.memory_space<vmem>> -> memref<1x16xi32, #tpu.memory_space<vmem>>
    %dma_start3A_26 = tpu.memref_squeeze %dma_start3A_25 : memref<1x16xi32, #tpu.memory_space<vmem>> -> memref<16xi32, #tpu.memory_space<vmem>>
    %dma_start3A_27 = arith.constant 0 : i32
    %dma_start3A_28 = arith.constant 0 : i32
    %dma_start3A_29 = tpu.memref_slice %arg3[%dma_start3A_27, %dma_start3A_28] : memref<100000x1024xf32, #tpu.memory_space<hbm>> -> memref<100000x1024xf32, #tpu.memory_space<hbm>>
    %dma_start3A_30 = tpu.memref_slice %arg7[%dma_start3A_19] : memref<4x!tpu.dma_semaphore, #tpu.memory_space<semaphore_mem>> -> memref<1x!tpu.dma_semaphore, #tpu.memory_space<semaphore_mem>>
    %dma_start3A_31 = tpu.memref_squeeze %dma_start3A_30 : memref<1x!tpu.dma_semaphore, #tpu.memory_space<semaphore_mem>> -> memref<!tpu.dma_semaphore, #tpu.memory_space<semaphore_mem>>
    tpu.enqueue_indirect_dma source(%dma_start3A_29 : memref<100000x1024xf32, #tpu.memory_space<hbm>>) target(%dma_start3A_23 : memref<16x1024xf32, #tpu.memory_space<vmem>>) offsets(%dma_start3A_26 : memref<16xi32, #tpu.memory_space<vmem>>) semaphore(%dma_start3A_31 : memref<!tpu.dma_semaphore, #tpu.memory_space<semaphore_mem>>)
    %dma_start3A_32 = arith.constant 2 : i32
    %dma_start3A_33 = arith.constant 2 : i32
    %dma_start3A_34 = arith.constant 2 : i32
    %dma_start3A_35 = arith.constant 0 : i32
    %dma_start3A_36 = arith.constant 0 : i32
    %dma_start3A_37 = tpu.memref_slice %arg6[%dma_start3A_33, %dma_start3A_35, %dma_start3A_36] : memref<4x16x1024xf32, #tpu.memory_space<vmem>> -> memref<1x16x1024xf32, #tpu.memory_space<vmem>>
    %dma_start3A_38 = tpu.memref_squeeze %dma_start3A_37 : memref<1x16x1024xf32, #tpu.memory_space<vmem>> -> memref<16x1024xf32, #tpu.memory_space<vmem>>
    %dma_start3A_39 = arith.constant 0 : i32
    %dma_start3A_40 = tpu.memref_slice %arg5[%dma_start3A_32, %dma_start3A_39] : memref<32x16xi32, #tpu.memory_space<vmem>> -> memref<1x16xi32, #tpu.memory_space<vmem>>
    %dma_start3A_41 = tpu.memref_squeeze %dma_start3A_40 : memref<1x16xi32, #tpu.memory_space<vmem>> -> memref<16xi32, #tpu.memory_space<vmem>>
    %dma_start3A_42 = arith.constant 0 : i32
    %dma_start3A_43 = arith.constant 0 : i32
    %dma_start3A_44 = tpu.memref_slice %arg3[%dma_start3A_42, %dma_start3A_43] : memref<100000x1024xf32, #tpu.memory_space<hbm>> -> memref<100000x1024xf32, #tpu.memory_space<hbm>>
    %dma_start3A_45 = tpu.memref_slice %arg7[%dma_start3A_34] : memref<4x!tpu.dma_semaphore, #tpu.memory_space<semaphore_mem>> -> memref<1x!tpu.dma_semaphore, #tpu.memory_space<semaphore_mem>>
    %dma_start3A_46 = tpu.memref_squeeze %dma_start3A_45 : memref<1x!tpu.dma_semaphore, #tpu.memory_space<semaphore_mem>> -> memref<!tpu.dma_semaphore, #tpu.memory_space<semaphore_mem>>
    tpu.enqueue_indirect_dma source(%dma_start3A_44 : memref<100000x1024xf32, #tpu.memory_space<hbm>>) target(%dma_start3A_38 : memref<16x1024xf32, #tpu.memory_space<vmem>>) offsets(%dma_start3A_41 : memref<16xi32, #tpu.memory_space<vmem>>) semaphore(%dma_start3A_46 : memref<!tpu.dma_semaphore, #tpu.memory_space<semaphore_mem>>)
    %dma_start3A_47 = arith.constant 3 : i32
    %dma_start3A_48 = arith.constant 3 : i32
    %dma_start3A_49 = arith.constant 3 : i32
    %dma_start3A_50 = arith.constant 0 : i32
    %dma_start3A_51 = arith.constant 0 : i32
    %dma_start3A_52 = tpu.memref_slice %arg6[%dma_start3A_48, %dma_start3A_50, %dma_start3A_51] : memref<4x16x1024xf32, #tpu.memory_space<vmem>> -> memref<1x16x1024xf32, #tpu.memory_space<vmem>>
    %dma_start3A_53 = tpu.memref_squeeze %dma_start3A_52 : memref<1x16x1024xf32, #tpu.memory_space<vmem>> -> memref<16x1024xf32, #tpu.memory_space<vmem>>
    %dma_start3A_54 = arith.constant 0 : i32
    %dma_start3A_55 = tpu.memref_slice %arg5[%dma_start3A_47, %dma_start3A_54] : memref<32x16xi32, #tpu.memory_space<vmem>> -> memref<1x16xi32, #tpu.memory_space<vmem>>
    %dma_start3A_56 = tpu.memref_squeeze %dma_start3A_55 : memref<1x16xi32, #tpu.memory_space<vmem>> -> memref<16xi32, #tpu.memory_space<vmem>>
    %dma_start3A_57 = arith.constant 0 : i32
    %dma_start3A_58 = arith.constant 0 : i32
    %dma_start3A_59 = tpu.memref_slice %arg3[%dma_start3A_57, %dma_start3A_58] : memref<100000x1024xf32, #tpu.memory_space<hbm>> -> memref<100000x1024xf32, #tpu.memory_space<hbm>>
    %dma_start3A_60 = tpu.memref_slice %arg7[%dma_start3A_49] : memref<4x!tpu.dma_semaphore, #tpu.memory_space<semaphore_mem>> -> memref<1x!tpu.dma_semaphore, #tpu.memory_space<semaphore_mem>>
    %dma_start3A_61 = tpu.memref_squeeze %dma_start3A_60 : memref<1x!tpu.dma_semaphore, #tpu.memory_space<semaphore_mem>> -> memref<!tpu.dma_semaphore, #tpu.memory_space<semaphore_mem>>
    tpu.enqueue_indirect_dma source(%dma_start3A_59 : memref<100000x1024xf32, #tpu.memory_space<hbm>>) target(%dma_start3A_53 : memref<16x1024xf32, #tpu.memory_space<vmem>>) offsets(%dma_start3A_56 : memref<16xi32, #tpu.memory_space<vmem>>) semaphore(%dma_start3A_61 : memref<!tpu.dma_semaphore, #tpu.memory_space<semaphore_mem>>)
    %scan3A = arith.constant 0 : i32
    %scan3A_62 = arith.constant 0 : i32
    %scan3A_63 = arith.constant 7 : i32
    %scan3A_64 = arith.addi %scan3A_62, %scan3A_63 : i32
    %scan3A_65 = arith.constant 1 : i32
    %scan3A_66 = scf.for %scan3A_263 = %scan3A_62 to %scan3A_64 step %scan3A_65 iter_args(%scan3A_264 = %scan3A) -> (i32)  : i32 {
      %mul3A_265 = arith.constant 4 : i32
      %mul3A_266 = arith.muli %scan3A_263, %mul3A_265 : i32
      %add3A_267 = arith.constant 0 : i32
      %add3A_268 = arith.addi %mul3A_266, %add3A_267 : i32
      %dma_wait3A_269 = arith.constant 0 : i32
      %dma_wait3A_270 = arith.constant 0 : i32
      %dma_wait3A_271 = arith.constant 0 : i32
      %dma_wait3A_272 = arith.constant 0 : i32
      %dma_wait3A_273 = tpu.memref_slice %arg6[%dma_wait3A_269, %dma_wait3A_271, %dma_wait3A_272] : memref<4x16x1024xf32, #tpu.memory_space<vmem>> -> memref<1x16x1024xf32, #tpu.memory_space<vmem>>
      %dma_wait3A_274 = tpu.memref_squeeze %dma_wait3A_273 : memref<1x16x1024xf32, #tpu.memory_space<vmem>> -> memref<16x1024xf32, #tpu.memory_space<vmem>>
      %dma_wait3A_275 = arith.constant 0 : i32
      %dma_wait3A_276 = tpu.memref_slice %arg5[%add3A_268, %dma_wait3A_275] : memref<32x16xi32, #tpu.memory_space<vmem>> -> memref<1x16xi32, #tpu.memory_space<vmem>>
      %dma_wait3A_277 = tpu.memref_squeeze %dma_wait3A_276 : memref<1x16xi32, #tpu.memory_space<vmem>> -> memref<16xi32, #tpu.memory_space<vmem>>
      %dma_wait3A_278 = arith.constant 0 : i32
      %dma_wait3A_279 = arith.constant 0 : i32
      %dma_wait3A_280 = tpu.memref_slice %arg3[%dma_wait3A_278, %dma_wait3A_279] : memref<100000x1024xf32, #tpu.memory_space<hbm>> -> memref<100000x1024xf32, #tpu.memory_space<hbm>>
      %dma_wait3A_281 = tpu.memref_slice %arg7[%dma_wait3A_270] : memref<4x!tpu.dma_semaphore, #tpu.memory_space<semaphore_mem>> -> memref<1x!tpu.dma_semaphore, #tpu.memory_space<semaphore_mem>>
      %dma_wait3A_282 = tpu.memref_squeeze %dma_wait3A_281 : memref<1x!tpu.dma_semaphore, #tpu.memory_space<semaphore_mem>> -> memref<!tpu.dma_semaphore, #tpu.memory_space<semaphore_mem>>
      tpu.wait_indirect_dma semaphore(%dma_wait3A_282 : memref<!tpu.dma_semaphore, #tpu.memory_space<semaphore_mem>>) src(%dma_wait3A_280 : memref<100000x1024xf32, #tpu.memory_space<hbm>>) dst(%dma_wait3A_274 : memref<16x1024xf32, #tpu.memory_space<vmem>>)
      %mul3A_283 = arith.constant 16 : i32
      %mul3A_284 = arith.muli %add3A_268, %mul3A_283 : i32
      %add3A_285 = arith.addi %mul3A_2, %mul3A_284 : i32
      %dma_start3A_286 = arith.constant 0 : i32
      %dma_start3A_287 = arith.constant 0 : i32
      %dma_start3A_288 = arith.constant 0 : i32
      %dma_start3A_289 = arith.constant 0 : i32
      %dma_start3A_290 = tpu.memref_slice %arg6[%dma_start3A_286, %dma_start3A_288, %dma_start3A_289] : memref<4x16x1024xf32, #tpu.memory_space<vmem>> -> memref<1x16x1024xf32, #tpu.memory_space<vmem>>
      %dma_start3A_291 = tpu.memref_squeeze %dma_start3A_290 : memref<1x16x1024xf32, #tpu.memory_space<vmem>> -> memref<16x1024xf32, #tpu.memory_space<vmem>>
      %dma_start3A_292 = arith.constant 0 : i32
      %dma_start3A_293 = tpu.memref_slice %arg4[%add3A_285, %dma_start3A_292] : memref<16384x1024xf32, #tpu.memory_space<hbm>> -> memref<16x1024xf32, #tpu.memory_space<hbm>>
      %dma_start3A_294 = tpu.memref_slice %arg8[%dma_start3A_287] : memref<4x!tpu.dma_semaphore, #tpu.memory_space<semaphore_mem>> -> memref<1x!tpu.dma_semaphore, #tpu.memory_space<semaphore_mem>>
      %dma_start3A_295 = tpu.memref_squeeze %dma_start3A_294 : memref<1x!tpu.dma_semaphore, #tpu.memory_space<semaphore_mem>> -> memref<!tpu.dma_semaphore, #tpu.memory_space<semaphore_mem>>
      %dma_start3A_296 = arith.constant 0 : i32
      %dma_start3A_297 = tpu.memref_slice %arg4[%add3A_285, %dma_start3A_296] : memref<16384x1024xf32, #tpu.memory_space<hbm>> -> memref<16x1024xf32, #tpu.memory_space<hbm>>
      %dma_start3A_298 = arith.constant 0 : i32
      %dma_start3A_299 = arith.constant 0 : i32
      %dma_start3A_300 = tpu.memref_slice %arg6[%dma_start3A_286, %dma_start3A_298, %dma_start3A_299] : memref<4x16x1024xf32, #tpu.memory_space<vmem>> -> memref<1x16x1024xf32, #tpu.memory_space<vmem>>
      %dma_start3A_301 = tpu.memref_squeeze %dma_start3A_300 : memref<1x16x1024xf32, #tpu.memory_space<vmem>> -> memref<16x1024xf32, #tpu.memory_space<vmem>>
      tpu.enqueue_dma source(%dma_start3A_301 : memref<16x1024xf32, #tpu.memory_space<vmem>>) target(%dma_start3A_297 : memref<16x1024xf32, #tpu.memory_space<hbm>>) target_semaphore(%dma_start3A_295 : memref<!tpu.dma_semaphore, #tpu.memory_space<semaphore_mem>>)
      %dma_wait3A_302 = arith.constant 0 : i32
      %dma_wait3A_303 = arith.constant 0 : i32
      %dma_wait3A_304 = arith.constant 0 : i32
      %dma_wait3A_305 = arith.constant 0 : i32
      %dma_wait3A_306 = tpu.memref_slice %arg6[%dma_wait3A_302, %dma_wait3A_304, %dma_wait3A_305] : memref<4x16x1024xf32, #tpu.memory_space<vmem>> -> memref<1x16x1024xf32, #tpu.memory_space<vmem>>
      %dma_wait3A_307 = tpu.memref_squeeze %dma_wait3A_306 : memref<1x16x1024xf32, #tpu.memory_space<vmem>> -> memref<16x1024xf32, #tpu.memory_space<vmem>>
      %dma_wait3A_308 = arith.constant 0 : i32
      %dma_wait3A_309 = tpu.memref_slice %arg4[%add3A_285, %dma_wait3A_308] : memref<16384x1024xf32, #tpu.memory_space<hbm>> -> memref<16x1024xf32, #tpu.memory_space<hbm>>
      %dma_wait3A_310 = tpu.memref_slice %arg8[%dma_wait3A_303] : memref<4x!tpu.dma_semaphore, #tpu.memory_space<semaphore_mem>> -> memref<1x!tpu.dma_semaphore, #tpu.memory_space<semaphore_mem>>
      %dma_wait3A_311 = tpu.memref_squeeze %dma_wait3A_310 : memref<1x!tpu.dma_semaphore, #tpu.memory_space<semaphore_mem>> -> memref<!tpu.dma_semaphore, #tpu.memory_space<semaphore_mem>>
      %dma_wait3A_312 = arith.constant 0 : i32
      %dma_wait3A_313 = tpu.memref_slice %arg4[%add3A_285, %dma_wait3A_312] : memref<16384x1024xf32, #tpu.memory_space<hbm>> -> memref<16x1024xf32, #tpu.memory_space<hbm>>
      %dma_wait3A_314 = arith.constant 0 : i32
      %dma_wait3A_315 = arith.constant 0 : i32
      %dma_wait3A_316 = tpu.memref_slice %arg6[%dma_wait3A_302, %dma_wait3A_314, %dma_wait3A_315] : memref<4x16x1024xf32, #tpu.memory_space<vmem>> -> memref<1x16x1024xf32, #tpu.memory_space<vmem>>
      %dma_wait3A_317 = tpu.memref_squeeze %dma_wait3A_316 : memref<1x16x1024xf32, #tpu.memory_space<vmem>> -> memref<16x1024xf32, #tpu.memory_space<vmem>>
      tpu.wait_dma2 semaphore(%dma_wait3A_311 : memref<!tpu.dma_semaphore, #tpu.memory_space<semaphore_mem>>) src(%dma_wait3A_317 : memref<16x1024xf32, #tpu.memory_space<vmem>>) dst(%dma_wait3A_313 : memref<16x1024xf32, #tpu.memory_space<hbm>>)
      %add3A_318 = arith.constant 4 : i32
      %add3A_319 = arith.addi %add3A_268, %add3A_318 : i32
      %dma_start3A_320 = arith.constant 0 : i32
      %dma_start3A_321 = arith.constant 0 : i32
      %dma_start3A_322 = arith.constant 0 : i32
      %dma_start3A_323 = arith.constant 0 : i32
      %dma_start3A_324 = tpu.memref_slice %arg6[%dma_start3A_320, %dma_start3A_322, %dma_start3A_323] : memref<4x16x1024xf32, #tpu.memory_space<vmem>> -> memref<1x16x1024xf32, #tpu.memory_space<vmem>>
      %dma_start3A_325 = tpu.memref_squeeze %dma_start3A_324 : memref<1x16x1024xf32, #tpu.memory_space<vmem>> -> memref<16x1024xf32, #tpu.memory_space<vmem>>
      %dma_start3A_326 = arith.constant 0 : i32
      %dma_start3A_327 = tpu.memref_slice %arg5[%add3A_319, %dma_start3A_326] : memref<32x16xi32, #tpu.memory_space<vmem>> -> memref<1x16xi32, #tpu.memory_space<vmem>>
      %dma_start3A_328 = tpu.memref_squeeze %dma_start3A_327 : memref<1x16xi32, #tpu.memory_space<vmem>> -> memref<16xi32, #tpu.memory_space<vmem>>
      %dma_start3A_329 = arith.constant 0 : i32
      %dma_start3A_330 = arith.constant 0 : i32
      %dma_start3A_331 = tpu.memref_slice %arg3[%dma_start3A_329, %dma_start3A_330] : memref<100000x1024xf32, #tpu.memory_space<hbm>> -> memref<100000x1024xf32, #tpu.memory_space<hbm>>
      %dma_start3A_332 = tpu.memref_slice %arg7[%dma_start3A_321] : memref<4x!tpu.dma_semaphore, #tpu.memory_space<semaphore_mem>> -> memref<1x!tpu.dma_semaphore, #tpu.memory_space<semaphore_mem>>
      %dma_start3A_333 = tpu.memref_squeeze %dma_start3A_332 : memref<1x!tpu.dma_semaphore, #tpu.memory_space<semaphore_mem>> -> memref<!tpu.dma_semaphore, #tpu.memory_space<semaphore_mem>>
      tpu.enqueue_indirect_dma source(%dma_start3A_331 : memref<100000x1024xf32, #tpu.memory_space<hbm>>) target(%dma_start3A_325 : memref<16x1024xf32, #tpu.memory_space<vmem>>) offsets(%dma_start3A_328 : memref<16xi32, #tpu.memory_space<vmem>>) semaphore(%dma_start3A_333 : memref<!tpu.dma_semaphore, #tpu.memory_space<semaphore_mem>>)
      %mul3A_334 = arith.constant 4 : i32
      %mul3A_335 = arith.muli %scan3A_263, %mul3A_334 : i32
      %add3A_336 = arith.constant 1 : i32
      %add3A_337 = arith.addi %mul3A_335, %add3A_336 : i32
      %dma_wait3A_338 = arith.constant 1 : i32
      %dma_wait3A_339 = arith.constant 1 : i32
      %dma_wait3A_340 = arith.constant 0 : i32
      %dma_wait3A_341 = arith.constant 0 : i32
      %dma_wait3A_342 = tpu.memref_slice %arg6[%dma_wait3A_338, %dma_wait3A_340, %dma_wait3A_341] : memref<4x16x1024xf32, #tpu.memory_space<vmem>> -> memref<1x16x1024xf32, #tpu.memory_space<vmem>>
      %dma_wait3A_343 = tpu.memref_squeeze %dma_wait3A_342 : memref<1x16x1024xf32, #tpu.memory_space<vmem>> -> memref<16x1024xf32, #tpu.memory_space<vmem>>
      %dma_wait3A_344 = arith.constant 0 : i32
      %dma_wait3A_345 = tpu.memref_slice %arg5[%add3A_337, %dma_wait3A_344] : memref<32x16xi32, #tpu.memory_space<vmem>> -> memref<1x16xi32, #tpu.memory_space<vmem>>
      %dma_wait3A_346 = tpu.memref_squeeze %dma_wait3A_345 : memref<1x16xi32, #tpu.memory_space<vmem>> -> memref<16xi32, #tpu.memory_space<vmem>>
      %dma_wait3A_347 = arith.constant 0 : i32
      %dma_wait3A_348 = arith.constant 0 : i32
      %dma_wait3A_349 = tpu.memref_slice %arg3[%dma_wait3A_347, %dma_wait3A_348] : memref<100000x1024xf32, #tpu.memory_space<hbm>> -> memref<100000x1024xf32, #tpu.memory_space<hbm>>
      %dma_wait3A_350 = tpu.memref_slice %arg7[%dma_wait3A_339] : memref<4x!tpu.dma_semaphore, #tpu.memory_space<semaphore_mem>> -> memref<1x!tpu.dma_semaphore, #tpu.memory_space<semaphore_mem>>
      %dma_wait3A_351 = tpu.memref_squeeze %dma_wait3A_350 : memref<1x!tpu.dma_semaphore, #tpu.memory_space<semaphore_mem>> -> memref<!tpu.dma_semaphore, #tpu.memory_space<semaphore_mem>>
      tpu.wait_indirect_dma semaphore(%dma_wait3A_351 : memref<!tpu.dma_semaphore, #tpu.memory_space<semaphore_mem>>) src(%dma_wait3A_349 : memref<100000x1024xf32, #tpu.memory_space<hbm>>) dst(%dma_wait3A_343 : memref<16x1024xf32, #tpu.memory_space<vmem>>)
      %mul3A_352 = arith.constant 16 : i32
      %mul3A_353 = arith.muli %add3A_337, %mul3A_352 : i32
      %add3A_354 = arith.addi %mul3A_2, %mul3A_353 : i32
      %dma_start3A_355 = arith.constant 1 : i32
      %dma_start3A_356 = arith.constant 1 : i32
      %dma_start3A_357 = arith.constant 0 : i32
      %dma_start3A_358 = arith.constant 0 : i32
      %dma_start3A_359 = tpu.memref_slice %arg6[%dma_start3A_355, %dma_start3A_357, %dma_start3A_358] : memref<4x16x1024xf32, #tpu.memory_space<vmem>> -> memref<1x16x1024xf32, #tpu.memory_space<vmem>>
      %dma_start3A_360 = tpu.memref_squeeze %dma_start3A_359 : memref<1x16x1024xf32, #tpu.memory_space<vmem>> -> memref<16x1024xf32, #tpu.memory_space<vmem>>
      %dma_start3A_361 = arith.constant 0 : i32
      %dma_start3A_362 = tpu.memref_slice %arg4[%add3A_354, %dma_start3A_361] : memref<16384x1024xf32, #tpu.memory_space<hbm>> -> memref<16x1024xf32, #tpu.memory_space<hbm>>
      %dma_start3A_363 = tpu.memref_slice %arg8[%dma_start3A_356] : memref<4x!tpu.dma_semaphore, #tpu.memory_space<semaphore_mem>> -> memref<1x!tpu.dma_semaphore, #tpu.memory_space<semaphore_mem>>
      %dma_start3A_364 = tpu.memref_squeeze %dma_start3A_363 : memref<1x!tpu.dma_semaphore, #tpu.memory_space<semaphore_mem>> -> memref<!tpu.dma_semaphore, #tpu.memory_space<semaphore_mem>>
      %dma_start3A_365 = arith.constant 0 : i32
      %dma_start3A_366 = tpu.memref_slice %arg4[%add3A_354, %dma_start3A_365] : memref<16384x1024xf32, #tpu.memory_space<hbm>> -> memref<16x1024xf32, #tpu.memory_space<hbm>>
      %dma_start3A_367 = arith.constant 0 : i32
      %dma_start3A_368 = arith.constant 0 : i32
      %dma_start3A_369 = tpu.memref_slice %arg6[%dma_start3A_355, %dma_start3A_367, %dma_start3A_368] : memref<4x16x1024xf32, #tpu.memory_space<vmem>> -> memref<1x16x1024xf32, #tpu.memory_space<vmem>>
      %dma_start3A_370 = tpu.memref_squeeze %dma_start3A_369 : memref<1x16x1024xf32, #tpu.memory_space<vmem>> -> memref<16x1024xf32, #tpu.memory_space<vmem>>
      tpu.enqueue_dma source(%dma_start3A_370 : memref<16x1024xf32, #tpu.memory_space<vmem>>) target(%dma_start3A_366 : memref<16x1024xf32, #tpu.memory_space<hbm>>) target_semaphore(%dma_start3A_364 : memref<!tpu.dma_semaphore, #tpu.memory_space<semaphore_mem>>)
      %dma_wait3A_371 = arith.constant 1 : i32
      %dma_wait3A_372 = arith.constant 1 : i32
      %dma_wait3A_373 = arith.constant 0 : i32
      %dma_wait3A_374 = arith.constant 0 : i32
      %dma_wait3A_375 = tpu.memref_slice %arg6[%dma_wait3A_371, %dma_wait3A_373, %dma_wait3A_374] : memref<4x16x1024xf32, #tpu.memory_space<vmem>> -> memref<1x16x1024xf32, #tpu.memory_space<vmem>>
      %dma_wait3A_376 = tpu.memref_squeeze %dma_wait3A_375 : memref<1x16x1024xf32, #tpu.memory_space<vmem>> -> memref<16x1024xf32, #tpu.memory_space<vmem>>
      %dma_wait3A_377 = arith.constant 0 : i32
      %dma_wait3A_378 = tpu.memref_slice %arg4[%add3A_354, %dma_wait3A_377] : memref<16384x1024xf32, #tpu.memory_space<hbm>> -> memref<16x1024xf32, #tpu.memory_space<hbm>>
      %dma_wait3A_379 = tpu.memref_slice %arg8[%dma_wait3A_372] : memref<4x!tpu.dma_semaphore, #tpu.memory_space<semaphore_mem>> -> memref<1x!tpu.dma_semaphore, #tpu.memory_space<semaphore_mem>>
      %dma_wait3A_380 = tpu.memref_squeeze %dma_wait3A_379 : memref<1x!tpu.dma_semaphore, #tpu.memory_space<semaphore_mem>> -> memref<!tpu.dma_semaphore, #tpu.memory_space<semaphore_mem>>
      %dma_wait3A_381 = arith.constant 0 : i32
      %dma_wait3A_382 = tpu.memref_slice %arg4[%add3A_354, %dma_wait3A_381] : memref<16384x1024xf32, #tpu.memory_space<hbm>> -> memref<16x1024xf32, #tpu.memory_space<hbm>>
      %dma_wait3A_383 = arith.constant 0 : i32
      %dma_wait3A_384 = arith.constant 0 : i32
      %dma_wait3A_385 = tpu.memref_slice %arg6[%dma_wait3A_371, %dma_wait3A_383, %dma_wait3A_384] : memref<4x16x1024xf32, #tpu.memory_space<vmem>> -> memref<1x16x1024xf32, #tpu.memory_space<vmem>>
      %dma_wait3A_386 = tpu.memref_squeeze %dma_wait3A_385 : memref<1x16x1024xf32, #tpu.memory_space<vmem>> -> memref<16x1024xf32, #tpu.memory_space<vmem>>
      tpu.wait_dma2 semaphore(%dma_wait3A_380 : memref<!tpu.dma_semaphore, #tpu.memory_space<semaphore_mem>>) src(%dma_wait3A_386 : memref<16x1024xf32, #tpu.memory_space<vmem>>) dst(%dma_wait3A_382 : memref<16x1024xf32, #tpu.memory_space<hbm>>)
      %add3A_387 = arith.constant 4 : i32
      %add3A_388 = arith.addi %add3A_337, %add3A_387 : i32
      %dma_start3A_389 = arith.constant 1 : i32
      %dma_start3A_390 = arith.constant 1 : i32
      %dma_start3A_391 = arith.constant 0 : i32
      %dma_start3A_392 = arith.constant 0 : i32
      %dma_start3A_393 = tpu.memref_slice %arg6[%dma_start3A_389, %dma_start3A_391, %dma_start3A_392] : memref<4x16x1024xf32, #tpu.memory_space<vmem>> -> memref<1x16x1024xf32, #tpu.memory_space<vmem>>
      %dma_start3A_394 = tpu.memref_squeeze %dma_start3A_393 : memref<1x16x1024xf32, #tpu.memory_space<vmem>> -> memref<16x1024xf32, #tpu.memory_space<vmem>>
      %dma_start3A_395 = arith.constant 0 : i32
      %dma_start3A_396 = tpu.memref_slice %arg5[%add3A_388, %dma_start3A_395] : memref<32x16xi32, #tpu.memory_space<vmem>> -> memref<1x16xi32, #tpu.memory_space<vmem>>
      %dma_start3A_397 = tpu.memref_squeeze %dma_start3A_396 : memref<1x16xi32, #tpu.memory_space<vmem>> -> memref<16xi32, #tpu.memory_space<vmem>>
      %dma_start3A_398 = arith.constant 0 : i32
      %dma_start3A_399 = arith.constant 0 : i32
      %dma_start3A_400 = tpu.memref_slice %arg3[%dma_start3A_398, %dma_start3A_399] : memref<100000x1024xf32, #tpu.memory_space<hbm>> -> memref<100000x1024xf32, #tpu.memory_space<hbm>>
      %dma_start3A_401 = tpu.memref_slice %arg7[%dma_start3A_390] : memref<4x!tpu.dma_semaphore, #tpu.memory_space<semaphore_mem>> -> memref<1x!tpu.dma_semaphore, #tpu.memory_space<semaphore_mem>>
      %dma_start3A_402 = tpu.memref_squeeze %dma_start3A_401 : memref<1x!tpu.dma_semaphore, #tpu.memory_space<semaphore_mem>> -> memref<!tpu.dma_semaphore, #tpu.memory_space<semaphore_mem>>
      tpu.enqueue_indirect_dma source(%dma_start3A_400 : memref<100000x1024xf32, #tpu.memory_space<hbm>>) target(%dma_start3A_394 : memref<16x1024xf32, #tpu.memory_space<vmem>>) offsets(%dma_start3A_397 : memref<16xi32, #tpu.memory_space<vmem>>) semaphore(%dma_start3A_402 : memref<!tpu.dma_semaphore, #tpu.memory_space<semaphore_mem>>)
      %mul3A_403 = arith.constant 4 : i32
      %mul3A_404 = arith.muli %scan3A_263, %mul3A_403 : i32
      %add3A_405 = arith.constant 2 : i32
      %add3A_406 = arith.addi %mul3A_404, %add3A_405 : i32
      %dma_wait3A_407 = arith.constant 2 : i32
      %dma_wait3A_408 = arith.constant 2 : i32
      %dma_wait3A_409 = arith.constant 0 : i32
      %dma_wait3A_410 = arith.constant 0 : i32
      %dma_wait3A_411 = tpu.memref_slice %arg6[%dma_wait3A_407, %dma_wait3A_409, %dma_wait3A_410] : memref<4x16x1024xf32, #tpu.memory_space<vmem>> -> memref<1x16x1024xf32, #tpu.memory_space<vmem>>
      %dma_wait3A_412 = tpu.memref_squeeze %dma_wait3A_411 : memref<1x16x1024xf32, #tpu.memory_space<vmem>> -> memref<16x1024xf32, #tpu.memory_space<vmem>>
      %dma_wait3A_413 = arith.constant 0 : i32
      %dma_wait3A_414 = tpu.memref_slice %arg5[%add3A_406, %dma_wait3A_413] : memref<32x16xi32, #tpu.memory_space<vmem>> -> memref<1x16xi32, #tpu.memory_space<vmem>>
      %dma_wait3A_415 = tpu.memref_squeeze %dma_wait3A_414 : memref<1x16xi32, #tpu.memory_space<vmem>> -> memref<16xi32, #tpu.memory_space<vmem>>
      %dma_wait3A_416 = arith.constant 0 : i32
      %dma_wait3A_417 = arith.constant 0 : i32
      %dma_wait3A_418 = tpu.memref_slice %arg3[%dma_wait3A_416, %dma_wait3A_417] : memref<100000x1024xf32, #tpu.memory_space<hbm>> -> memref<100000x1024xf32, #tpu.memory_space<hbm>>
      %dma_wait3A_419 = tpu.memref_slice %arg7[%dma_wait3A_408] : memref<4x!tpu.dma_semaphore, #tpu.memory_space<semaphore_mem>> -> memref<1x!tpu.dma_semaphore, #tpu.memory_space<semaphore_mem>>
      %dma_wait3A_420 = tpu.memref_squeeze %dma_wait3A_419 : memref<1x!tpu.dma_semaphore, #tpu.memory_space<semaphore_mem>> -> memref<!tpu.dma_semaphore, #tpu.memory_space<semaphore_mem>>
      tpu.wait_indirect_dma semaphore(%dma_wait3A_420 : memref<!tpu.dma_semaphore, #tpu.memory_space<semaphore_mem>>) src(%dma_wait3A_418 : memref<100000x1024xf32, #tpu.memory_space<hbm>>) dst(%dma_wait3A_412 : memref<16x1024xf32, #tpu.memory_space<vmem>>)
      %mul3A_421 = arith.constant 16 : i32
      %mul3A_422 = arith.muli %add3A_406, %mul3A_421 : i32
      %add3A_423 = arith.addi %mul3A_2, %mul3A_422 : i32
      %dma_start3A_424 = arith.constant 2 : i32
      %dma_start3A_425 = arith.constant 2 : i32
      %dma_start3A_426 = arith.constant 0 : i32
      %dma_start3A_427 = arith.constant 0 : i32
      %dma_start3A_428 = tpu.memref_slice %arg6[%dma_start3A_424, %dma_start3A_426, %dma_start3A_427] : memref<4x16x1024xf32, #tpu.memory_space<vmem>> -> memref<1x16x1024xf32, #tpu.memory_space<vmem>>
      %dma_start3A_429 = tpu.memref_squeeze %dma_start3A_428 : memref<1x16x1024xf32, #tpu.memory_space<vmem>> -> memref<16x1024xf32, #tpu.memory_space<vmem>>
      %dma_start3A_430 = arith.constant 0 : i32
      %dma_start3A_431 = tpu.memref_slice %arg4[%add3A_423, %dma_start3A_430] : memref<16384x1024xf32, #tpu.memory_space<hbm>> -> memref<16x1024xf32, #tpu.memory_space<hbm>>
      %dma_start3A_432 = tpu.memref_slice %arg8[%dma_start3A_425] : memref<4x!tpu.dma_semaphore, #tpu.memory_space<semaphore_mem>> -> memref<1x!tpu.dma_semaphore, #tpu.memory_space<semaphore_mem>>
      %dma_start3A_433 = tpu.memref_squeeze %dma_start3A_432 : memref<1x!tpu.dma_semaphore, #tpu.memory_space<semaphore_mem>> -> memref<!tpu.dma_semaphore, #tpu.memory_space<semaphore_mem>>
      %dma_start3A_434 = arith.constant 0 : i32
      %dma_start3A_435 = tpu.memref_slice %arg4[%add3A_423, %dma_start3A_434] : memref<16384x1024xf32, #tpu.memory_space<hbm>> -> memref<16x1024xf32, #tpu.memory_space<hbm>>
      %dma_start3A_436 = arith.constant 0 : i32
      %dma_start3A_437 = arith.constant 0 : i32
      %dma_start3A_438 = tpu.memref_slice %arg6[%dma_start3A_424, %dma_start3A_436, %dma_start3A_437] : memref<4x16x1024xf32, #tpu.memory_space<vmem>> -> memref<1x16x1024xf32, #tpu.memory_space<vmem>>
      %dma_start3A_439 = tpu.memref_squeeze %dma_start3A_438 : memref<1x16x1024xf32, #tpu.memory_space<vmem>> -> memref<16x1024xf32, #tpu.memory_space<vmem>>
      tpu.enqueue_dma source(%dma_start3A_439 : memref<16x1024xf32, #tpu.memory_space<vmem>>) target(%dma_start3A_435 : memref<16x1024xf32, #tpu.memory_space<hbm>>) target_semaphore(%dma_start3A_433 : memref<!tpu.dma_semaphore, #tpu.memory_space<semaphore_mem>>)
      %dma_wait3A_440 = arith.constant 2 : i32
      %dma_wait3A_441 = arith.constant 2 : i32
      %dma_wait3A_442 = arith.constant 0 : i32
      %dma_wait3A_443 = arith.constant 0 : i32
      %dma_wait3A_444 = tpu.memref_slice %arg6[%dma_wait3A_440, %dma_wait3A_442, %dma_wait3A_443] : memref<4x16x1024xf32, #tpu.memory_space<vmem>> -> memref<1x16x1024xf32, #tpu.memory_space<vmem>>
      %dma_wait3A_445 = tpu.memref_squeeze %dma_wait3A_444 : memref<1x16x1024xf32, #tpu.memory_space<vmem>> -> memref<16x1024xf32, #tpu.memory_space<vmem>>
      %dma_wait3A_446 = arith.constant 0 : i32
      %dma_wait3A_447 = tpu.memref_slice %arg4[%add3A_423, %dma_wait3A_446] : memref<16384x1024xf32, #tpu.memory_space<hbm>> -> memref<16x1024xf32, #tpu.memory_space<hbm>>
      %dma_wait3A_448 = tpu.memref_slice %arg8[%dma_wait3A_441] : memref<4x!tpu.dma_semaphore, #tpu.memory_space<semaphore_mem>> -> memref<1x!tpu.dma_semaphore, #tpu.memory_space<semaphore_mem>>
      %dma_wait3A_449 = tpu.memref_squeeze %dma_wait3A_448 : memref<1x!tpu.dma_semaphore, #tpu.memory_space<semaphore_mem>> -> memref<!tpu.dma_semaphore, #tpu.memory_space<semaphore_mem>>
      %dma_wait3A_450 = arith.constant 0 : i32
      %dma_wait3A_451 = tpu.memref_slice %arg4[%add3A_423, %dma_wait3A_450] : memref<16384x1024xf32, #tpu.memory_space<hbm>> -> memref<16x1024xf32, #tpu.memory_space<hbm>>
      %dma_wait3A_452 = arith.constant 0 : i32
      %dma_wait3A_453 = arith.constant 0 : i32
      %dma_wait3A_454 = tpu.memref_slice %arg6[%dma_wait3A_440, %dma_wait3A_452, %dma_wait3A_453] : memref<4x16x1024xf32, #tpu.memory_space<vmem>> -> memref<1x16x1024xf32, #tpu.memory_space<vmem>>
      %dma_wait3A_455 = tpu.memref_squeeze %dma_wait3A_454 : memref<1x16x1024xf32, #tpu.memory_space<vmem>> -> memref<16x1024xf32, #tpu.memory_space<vmem>>
      tpu.wait_dma2 semaphore(%dma_wait3A_449 : memref<!tpu.dma_semaphore, #tpu.memory_space<semaphore_mem>>) src(%dma_wait3A_455 : memref<16x1024xf32, #tpu.memory_space<vmem>>) dst(%dma_wait3A_451 : memref<16x1024xf32, #tpu.memory_space<hbm>>)
      %add3A_456 = arith.constant 4 : i32
      %add3A_457 = arith.addi %add3A_406, %add3A_456 : i32
      %dma_start3A_458 = arith.constant 2 : i32
      %dma_start3A_459 = arith.constant 2 : i32
      %dma_start3A_460 = arith.constant 0 : i32
      %dma_start3A_461 = arith.constant 0 : i32
      %dma_start3A_462 = tpu.memref_slice %arg6[%dma_start3A_458, %dma_start3A_460, %dma_start3A_461] : memref<4x16x1024xf32, #tpu.memory_space<vmem>> -> memref<1x16x1024xf32, #tpu.memory_space<vmem>>
      %dma_start3A_463 = tpu.memref_squeeze %dma_start3A_462 : memref<1x16x1024xf32, #tpu.memory_space<vmem>> -> memref<16x1024xf32, #tpu.memory_space<vmem>>
      %dma_start3A_464 = arith.constant 0 : i32
      %dma_start3A_465 = tpu.memref_slice %arg5[%add3A_457, %dma_start3A_464] : memref<32x16xi32, #tpu.memory_space<vmem>> -> memref<1x16xi32, #tpu.memory_space<vmem>>
      %dma_start3A_466 = tpu.memref_squeeze %dma_start3A_465 : memref<1x16xi32, #tpu.memory_space<vmem>> -> memref<16xi32, #tpu.memory_space<vmem>>
      %dma_start3A_467 = arith.constant 0 : i32
      %dma_start3A_468 = arith.constant 0 : i32
      %dma_start3A_469 = tpu.memref_slice %arg3[%dma_start3A_467, %dma_start3A_468] : memref<100000x1024xf32, #tpu.memory_space<hbm>> -> memref<100000x1024xf32, #tpu.memory_space<hbm>>
      %dma_start3A_470 = tpu.memref_slice %arg7[%dma_start3A_459] : memref<4x!tpu.dma_semaphore, #tpu.memory_space<semaphore_mem>> -> memref<1x!tpu.dma_semaphore, #tpu.memory_space<semaphore_mem>>
      %dma_start3A_471 = tpu.memref_squeeze %dma_start3A_470 : memref<1x!tpu.dma_semaphore, #tpu.memory_space<semaphore_mem>> -> memref<!tpu.dma_semaphore, #tpu.memory_space<semaphore_mem>>
      tpu.enqueue_indirect_dma source(%dma_start3A_469 : memref<100000x1024xf32, #tpu.memory_space<hbm>>) target(%dma_start3A_463 : memref<16x1024xf32, #tpu.memory_space<vmem>>) offsets(%dma_start3A_466 : memref<16xi32, #tpu.memory_space<vmem>>) semaphore(%dma_start3A_471 : memref<!tpu.dma_semaphore, #tpu.memory_space<semaphore_mem>>)
      %mul3A_472 = arith.constant 4 : i32
      %mul3A_473 = arith.muli %scan3A_263, %mul3A_472 : i32
      %add3A_474 = arith.constant 3 : i32
      %add3A_475 = arith.addi %mul3A_473, %add3A_474 : i32
      %dma_wait3A_476 = arith.constant 3 : i32
      %dma_wait3A_477 = arith.constant 3 : i32
      %dma_wait3A_478 = arith.constant 0 : i32
      %dma_wait3A_479 = arith.constant 0 : i32
      %dma_wait3A_480 = tpu.memref_slice %arg6[%dma_wait3A_476, %dma_wait3A_478, %dma_wait3A_479] : memref<4x16x1024xf32, #tpu.memory_space<vmem>> -> memref<1x16x1024xf32, #tpu.memory_space<vmem>>
      %dma_wait3A_481 = tpu.memref_squeeze %dma_wait3A_480 : memref<1x16x1024xf32, #tpu.memory_space<vmem>> -> memref<16x1024xf32, #tpu.memory_space<vmem>>
      %dma_wait3A_482 = arith.constant 0 : i32
      %dma_wait3A_483 = tpu.memref_slice %arg5[%add3A_475, %dma_wait3A_482] : memref<32x16xi32, #tpu.memory_space<vmem>> -> memref<1x16xi32, #tpu.memory_space<vmem>>
      %dma_wait3A_484 = tpu.memref_squeeze %dma_wait3A_483 : memref<1x16xi32, #tpu.memory_space<vmem>> -> memref<16xi32, #tpu.memory_space<vmem>>
      %dma_wait3A_485 = arith.constant 0 : i32
      %dma_wait3A_486 = arith.constant 0 : i32
      %dma_wait3A_487 = tpu.memref_slice %arg3[%dma_wait3A_485, %dma_wait3A_486] : memref<100000x1024xf32, #tpu.memory_space<hbm>> -> memref<100000x1024xf32, #tpu.memory_space<hbm>>
      %dma_wait3A_488 = tpu.memref_slice %arg7[%dma_wait3A_477] : memref<4x!tpu.dma_semaphore, #tpu.memory_space<semaphore_mem>> -> memref<1x!tpu.dma_semaphore, #tpu.memory_space<semaphore_mem>>
      %dma_wait3A_489 = tpu.memref_squeeze %dma_wait3A_488 : memref<1x!tpu.dma_semaphore, #tpu.memory_space<semaphore_mem>> -> memref<!tpu.dma_semaphore, #tpu.memory_space<semaphore_mem>>
      tpu.wait_indirect_dma semaphore(%dma_wait3A_489 : memref<!tpu.dma_semaphore, #tpu.memory_space<semaphore_mem>>) src(%dma_wait3A_487 : memref<100000x1024xf32, #tpu.memory_space<hbm>>) dst(%dma_wait3A_481 : memref<16x1024xf32, #tpu.memory_space<vmem>>)
      %mul3A_490 = arith.constant 16 : i32
      %mul3A_491 = arith.muli %add3A_475, %mul3A_490 : i32
      %add3A_492 = arith.addi %mul3A_2, %mul3A_491 : i32
      %dma_start3A_493 = arith.constant 3 : i32
      %dma_start3A_494 = arith.constant 3 : i32
      %dma_start3A_495 = arith.constant 0 : i32
      %dma_start3A_496 = arith.constant 0 : i32
      %dma_start3A_497 = tpu.memref_slice %arg6[%dma_start3A_493, %dma_start3A_495, %dma_start3A_496] : memref<4x16x1024xf32, #tpu.memory_space<vmem>> -> memref<1x16x1024xf32, #tpu.memory_space<vmem>>
      %dma_start3A_498 = tpu.memref_squeeze %dma_start3A_497 : memref<1x16x1024xf32, #tpu.memory_space<vmem>> -> memref<16x1024xf32, #tpu.memory_space<vmem>>
      %dma_start3A_499 = arith.constant 0 : i32
      %dma_start3A_500 = tpu.memref_slice %arg4[%add3A_492, %dma_start3A_499] : memref<16384x1024xf32, #tpu.memory_space<hbm>> -> memref<16x1024xf32, #tpu.memory_space<hbm>>
      %dma_start3A_501 = tpu.memref_slice %arg8[%dma_start3A_494] : memref<4x!tpu.dma_semaphore, #tpu.memory_space<semaphore_mem>> -> memref<1x!tpu.dma_semaphore, #tpu.memory_space<semaphore_mem>>
      %dma_start3A_502 = tpu.memref_squeeze %dma_start3A_501 : memref<1x!tpu.dma_semaphore, #tpu.memory_space<semaphore_mem>> -> memref<!tpu.dma_semaphore, #tpu.memory_space<semaphore_mem>>
      %dma_start3A_503 = arith.constant 0 : i32
      %dma_start3A_504 = tpu.memref_slice %arg4[%add3A_492, %dma_start3A_503] : memref<16384x1024xf32, #tpu.memory_space<hbm>> -> memref<16x1024xf32, #tpu.memory_space<hbm>>
      %dma_start3A_505 = arith.constant 0 : i32
      %dma_start3A_506 = arith.constant 0 : i32
      %dma_start3A_507 = tpu.memref_slice %arg6[%dma_start3A_493, %dma_start3A_505, %dma_start3A_506] : memref<4x16x1024xf32, #tpu.memory_space<vmem>> -> memref<1x16x1024xf32, #tpu.memory_space<vmem>>
      %dma_start3A_508 = tpu.memref_squeeze %dma_start3A_507 : memref<1x16x1024xf32, #tpu.memory_space<vmem>> -> memref<16x1024xf32, #tpu.memory_space<vmem>>
      tpu.enqueue_dma source(%dma_start3A_508 : memref<16x1024xf32, #tpu.memory_space<vmem>>) target(%dma_start3A_504 : memref<16x1024xf32, #tpu.memory_space<hbm>>) target_semaphore(%dma_start3A_502 : memref<!tpu.dma_semaphore, #tpu.memory_space<semaphore_mem>>)
      %dma_wait3A_509 = arith.constant 3 : i32
      %dma_wait3A_510 = arith.constant 3 : i32
      %dma_wait3A_511 = arith.constant 0 : i32
      %dma_wait3A_512 = arith.constant 0 : i32
      %dma_wait3A_513 = tpu.memref_slice %arg6[%dma_wait3A_509, %dma_wait3A_511, %dma_wait3A_512] : memref<4x16x1024xf32, #tpu.memory_space<vmem>> -> memref<1x16x1024xf32, #tpu.memory_space<vmem>>
      %dma_wait3A_514 = tpu.memref_squeeze %dma_wait3A_513 : memref<1x16x1024xf32, #tpu.memory_space<vmem>> -> memref<16x1024xf32, #tpu.memory_space<vmem>>
      %dma_wait3A_515 = arith.constant 0 : i32
      %dma_wait3A_516 = tpu.memref_slice %arg4[%add3A_492, %dma_wait3A_515] : memref<16384x1024xf32, #tpu.memory_space<hbm>> -> memref<16x1024xf32, #tpu.memory_space<hbm>>
      %dma_wait3A_517 = tpu.memref_slice %arg8[%dma_wait3A_510] : memref<4x!tpu.dma_semaphore, #tpu.memory_space<semaphore_mem>> -> memref<1x!tpu.dma_semaphore, #tpu.memory_space<semaphore_mem>>
      %dma_wait3A_518 = tpu.memref_squeeze %dma_wait3A_517 : memref<1x!tpu.dma_semaphore, #tpu.memory_space<semaphore_mem>> -> memref<!tpu.dma_semaphore, #tpu.memory_space<semaphore_mem>>
      %dma_wait3A_519 = arith.constant 0 : i32
      %dma_wait3A_520 = tpu.memref_slice %arg4[%add3A_492, %dma_wait3A_519] : memref<16384x1024xf32, #tpu.memory_space<hbm>> -> memref<16x1024xf32, #tpu.memory_space<hbm>>
      %dma_wait3A_521 = arith.constant 0 : i32
      %dma_wait3A_522 = arith.constant 0 : i32
      %dma_wait3A_523 = tpu.memref_slice %arg6[%dma_wait3A_509, %dma_wait3A_521, %dma_wait3A_522] : memref<4x16x1024xf32, #tpu.memory_space<vmem>> -> memref<1x16x1024xf32, #tpu.memory_space<vmem>>
      %dma_wait3A_524 = tpu.memref_squeeze %dma_wait3A_523 : memref<1x16x1024xf32, #tpu.memory_space<vmem>> -> memref<16x1024xf32, #tpu.memory_space<vmem>>
      tpu.wait_dma2 semaphore(%dma_wait3A_518 : memref<!tpu.dma_semaphore, #tpu.memory_space<semaphore_mem>>) src(%dma_wait3A_524 : memref<16x1024xf32, #tpu.memory_space<vmem>>) dst(%dma_wait3A_520 : memref<16x1024xf32, #tpu.memory_space<hbm>>)
      %add3A_525 = arith.constant 4 : i32
      %add3A_526 = arith.addi %add3A_475, %add3A_525 : i32
      %dma_start3A_527 = arith.constant 3 : i32
      %dma_start3A_528 = arith.constant 3 : i32
      %dma_start3A_529 = arith.constant 0 : i32
      %dma_start3A_530 = arith.constant 0 : i32
      %dma_start3A_531 = tpu.memref_slice %arg6[%dma_start3A_527, %dma_start3A_529, %dma_start3A_530] : memref<4x16x1024xf32, #tpu.memory_space<vmem>> -> memref<1x16x1024xf32, #tpu.memory_space<vmem>>
      %dma_start3A_532 = tpu.memref_squeeze %dma_start3A_531 : memref<1x16x1024xf32, #tpu.memory_space<vmem>> -> memref<16x1024xf32, #tpu.memory_space<vmem>>
      %dma_start3A_533 = arith.constant 0 : i32
      %dma_start3A_534 = tpu.memref_slice %arg5[%add3A_526, %dma_start3A_533] : memref<32x16xi32, #tpu.memory_space<vmem>> -> memref<1x16xi32, #tpu.memory_space<vmem>>
      %dma_start3A_535 = tpu.memref_squeeze %dma_start3A_534 : memref<1x16xi32, #tpu.memory_space<vmem>> -> memref<16xi32, #tpu.memory_space<vmem>>
      %dma_start3A_536 = arith.constant 0 : i32
      %dma_start3A_537 = arith.constant 0 : i32
      %dma_start3A_538 = tpu.memref_slice %arg3[%dma_start3A_536, %dma_start3A_537] : memref<100000x1024xf32, #tpu.memory_space<hbm>> -> memref<100000x1024xf32, #tpu.memory_space<hbm>>
      %dma_start3A_539 = tpu.memref_slice %arg7[%dma_start3A_528] : memref<4x!tpu.dma_semaphore, #tpu.memory_space<semaphore_mem>> -> memref<1x!tpu.dma_semaphore, #tpu.memory_space<semaphore_mem>>
      %dma_start3A_540 = tpu.memref_squeeze %dma_start3A_539 : memref<1x!tpu.dma_semaphore, #tpu.memory_space<semaphore_mem>> -> memref<!tpu.dma_semaphore, #tpu.memory_space<semaphore_mem>>
      tpu.enqueue_indirect_dma source(%dma_start3A_538 : memref<100000x1024xf32, #tpu.memory_space<hbm>>) target(%dma_start3A_532 : memref<16x1024xf32, #tpu.memory_space<vmem>>) offsets(%dma_start3A_535 : memref<16xi32, #tpu.memory_space<vmem>>) semaphore(%dma_start3A_540 : memref<!tpu.dma_semaphore, #tpu.memory_space<semaphore_mem>>)
      %scan3A_541 = arith.constant 0 : i32
      scf.yield %scan3A_541 : i32
    }
    %scan3A_67 = arith.constant 7 : i32
    %dma_wait3A = arith.constant 28 : i32
    %dma_wait3A_68 = arith.constant 0 : i32
    %dma_wait3A_69 = arith.constant 0 : i32
    %dma_wait3A_70 = arith.constant 0 : i32
    %dma_wait3A_71 = arith.constant 0 : i32
    %dma_wait3A_72 = tpu.memref_slice %arg6[%dma_wait3A_68, %dma_wait3A_70, %dma_wait3A_71] : memref<4x16x1024xf32, #tpu.memory_space<vmem>> -> memref<1x16x1024xf32, #tpu.memory_space<vmem>>
    %dma_wait3A_73 = tpu.memref_squeeze %dma_wait3A_72 : memref<1x16x1024xf32, #tpu.memory_space<vmem>> -> memref<16x1024xf32, #tpu.memory_space<vmem>>
    %dma_wait3A_74 = arith.constant 0 : i32
    %dma_wait3A_75 = tpu.memref_slice %arg5[%dma_wait3A, %dma_wait3A_74] : memref<32x16xi32, #tpu.memory_space<vmem>> -> memref<1x16xi32, #tpu.memory_space<vmem>>
    %dma_wait3A_76 = tpu.memref_squeeze %dma_wait3A_75 : memref<1x16xi32, #tpu.memory_space<vmem>> -> memref<16xi32, #tpu.memory_space<vmem>>
    %dma_wait3A_77 = arith.constant 0 : i32
    %dma_wait3A_78 = arith.constant 0 : i32
    %dma_wait3A_79 = tpu.memref_slice %arg3[%dma_wait3A_77, %dma_wait3A_78] : memref<100000x1024xf32, #tpu.memory_space<hbm>> -> memref<100000x1024xf32, #tpu.memory_space<hbm>>
    %dma_wait3A_80 = tpu.memref_slice %arg7[%dma_wait3A_69] : memref<4x!tpu.dma_semaphore, #tpu.memory_space<semaphore_mem>> -> memref<1x!tpu.dma_semaphore, #tpu.memory_space<semaphore_mem>>
    %dma_wait3A_81 = tpu.memref_squeeze %dma_wait3A_80 : memref<1x!tpu.dma_semaphore, #tpu.memory_space<semaphore_mem>> -> memref<!tpu.dma_semaphore, #tpu.memory_space<semaphore_mem>>
    tpu.wait_indirect_dma semaphore(%dma_wait3A_81 : memref<!tpu.dma_semaphore, #tpu.memory_space<semaphore_mem>>) src(%dma_wait3A_79 : memref<100000x1024xf32, #tpu.memory_space<hbm>>) dst(%dma_wait3A_73 : memref<16x1024xf32, #tpu.memory_space<vmem>>)
    %add3A_82 = arith.constant 448 : i32
    %add3A_83 = arith.addi %mul3A_2, %add3A_82 : i32
    %dma_start3A_84 = arith.constant 0 : i32
    %dma_start3A_85 = arith.constant 0 : i32
    %dma_start3A_86 = arith.constant 0 : i32
    %dma_start3A_87 = arith.constant 0 : i32
    %dma_start3A_88 = tpu.memref_slice %arg6[%dma_start3A_84, %dma_start3A_86, %dma_start3A_87] : memref<4x16x1024xf32, #tpu.memory_space<vmem>> -> memref<1x16x1024xf32, #tpu.memory_space<vmem>>
    %dma_start3A_89 = tpu.memref_squeeze %dma_start3A_88 : memref<1x16x1024xf32, #tpu.memory_space<vmem>> -> memref<16x1024xf32, #tpu.memory_space<vmem>>
    %dma_start3A_90 = arith.constant 0 : i32
    %dma_start3A_91 = tpu.memref_slice %arg4[%add3A_83, %dma_start3A_90] : memref<16384x1024xf32, #tpu.memory_space<hbm>> -> memref<16x1024xf32, #tpu.memory_space<hbm>>
    %dma_start3A_92 = tpu.memref_slice %arg8[%dma_start3A_85] : memref<4x!tpu.dma_semaphore, #tpu.memory_space<semaphore_mem>> -> memref<1x!tpu.dma_semaphore, #tpu.memory_space<semaphore_mem>>
    %dma_start3A_93 = tpu.memref_squeeze %dma_start3A_92 : memref<1x!tpu.dma_semaphore, #tpu.memory_space<semaphore_mem>> -> memref<!tpu.dma_semaphore, #tpu.memory_space<semaphore_mem>>
    %dma_start3A_94 = arith.constant 0 : i32
    %dma_start3A_95 = tpu.memref_slice %arg4[%add3A_83, %dma_start3A_94] : memref<16384x1024xf32, #tpu.memory_space<hbm>> -> memref<16x1024xf32, #tpu.memory_space<hbm>>
    %dma_start3A_96 = arith.constant 0 : i32
    %dma_start3A_97 = arith.constant 0 : i32
    %dma_start3A_98 = tpu.memref_slice %arg6[%dma_start3A_84, %dma_start3A_96, %dma_start3A_97] : memref<4x16x1024xf32, #tpu.memory_space<vmem>> -> memref<1x16x1024xf32, #tpu.memory_space<vmem>>
    %dma_start3A_99 = tpu.memref_squeeze %dma_start3A_98 : memref<1x16x1024xf32, #tpu.memory_space<vmem>> -> memref<16x1024xf32, #tpu.memory_space<vmem>>
    tpu.enqueue_dma source(%dma_start3A_99 : memref<16x1024xf32, #tpu.memory_space<vmem>>) target(%dma_start3A_95 : memref<16x1024xf32, #tpu.memory_space<hbm>>) target_semaphore(%dma_start3A_93 : memref<!tpu.dma_semaphore, #tpu.memory_space<semaphore_mem>>)
    %dma_wait3A_100 = arith.constant 0 : i32
    %dma_wait3A_101 = arith.constant 0 : i32
    %dma_wait3A_102 = arith.constant 0 : i32
    %dma_wait3A_103 = arith.constant 0 : i32
    %dma_wait3A_104 = tpu.memref_slice %arg6[%dma_wait3A_100, %dma_wait3A_102, %dma_wait3A_103] : memref<4x16x1024xf32, #tpu.memory_space<vmem>> -> memref<1x16x1024xf32, #tpu.memory_space<vmem>>
    %dma_wait3A_105 = tpu.memref_squeeze %dma_wait3A_104 : memref<1x16x1024xf32, #tpu.memory_space<vmem>> -> memref<16x1024xf32, #tpu.memory_space<vmem>>
    %dma_wait3A_106 = arith.constant 0 : i32
    %dma_wait3A_107 = tpu.memref_slice %arg4[%add3A_83, %dma_wait3A_106] : memref<16384x1024xf32, #tpu.memory_space<hbm>> -> memref<16x1024xf32, #tpu.memory_space<hbm>>
    %dma_wait3A_108 = tpu.memref_slice %arg8[%dma_wait3A_101] : memref<4x!tpu.dma_semaphore, #tpu.memory_space<semaphore_mem>> -> memref<1x!tpu.dma_semaphore, #tpu.memory_space<semaphore_mem>>
    %dma_wait3A_109 = tpu.memref_squeeze %dma_wait3A_108 : memref<1x!tpu.dma_semaphore, #tpu.memory_space<semaphore_mem>> -> memref<!tpu.dma_semaphore, #tpu.memory_space<semaphore_mem>>
    %dma_wait3A_110 = arith.constant 0 : i32
    %dma_wait3A_111 = tpu.memref_slice %arg4[%add3A_83, %dma_wait3A_110] : memref<16384x1024xf32, #tpu.memory_space<hbm>> -> memref<16x1024xf32, #tpu.memory_space<hbm>>
    %dma_wait3A_112 = arith.constant 0 : i32
    %dma_wait3A_113 = arith.constant 0 : i32
    %dma_wait3A_114 = tpu.memref_slice %arg6[%dma_wait3A_100, %dma_wait3A_112, %dma_wait3A_113] : memref<4x16x1024xf32, #tpu.memory_space<vmem>> -> memref<1x16x1024xf32, #tpu.memory_space<vmem>>
    %dma_wait3A_115 = tpu.memref_squeeze %dma_wait3A_114 : memref<1x16x1024xf32, #tpu.memory_space<vmem>> -> memref<16x1024xf32, #tpu.memory_space<vmem>>
    tpu.wait_dma2 semaphore(%dma_wait3A_109 : memref<!tpu.dma_semaphore, #tpu.memory_space<semaphore_mem>>) src(%dma_wait3A_115 : memref<16x1024xf32, #tpu.memory_space<vmem>>) dst(%dma_wait3A_111 : memref<16x1024xf32, #tpu.memory_space<hbm>>)
    %dma_wait3A_116 = arith.constant 29 : i32
    %dma_wait3A_117 = arith.constant 1 : i32
    %dma_wait3A_118 = arith.constant 1 : i32
    %dma_wait3A_119 = arith.constant 0 : i32
    %dma_wait3A_120 = arith.constant 0 : i32
    %dma_wait3A_121 = tpu.memref_slice %arg6[%dma_wait3A_117, %dma_wait3A_119, %dma_wait3A_120] : memref<4x16x1024xf32, #tpu.memory_space<vmem>> -> memref<1x16x1024xf32, #tpu.memory_space<vmem>>
    %dma_wait3A_122 = tpu.memref_squeeze %dma_wait3A_121 : memref<1x16x1024xf32, #tpu.memory_space<vmem>> -> memref<16x1024xf32, #tpu.memory_space<vmem>>
    %dma_wait3A_123 = arith.constant 0 : i32
    %dma_wait3A_124 = tpu.memref_slice %arg5[%dma_wait3A_116, %dma_wait3A_123] : memref<32x16xi32, #tpu.memory_space<vmem>> -> memref<1x16xi32, #tpu.memory_space<vmem>>
    %dma_wait3A_125 = tpu.memref_squeeze %dma_wait3A_124 : memref<1x16xi32, #tpu.memory_space<vmem>> -> memref<16xi32, #tpu.memory_space<vmem>>
    %dma_wait3A_126 = arith.constant 0 : i32
    %dma_wait3A_127 = arith.constant 0 : i32
    %dma_wait3A_128 = tpu.memref_slice %arg3[%dma_wait3A_126, %dma_wait3A_127] : memref<100000x1024xf32, #tpu.memory_space<hbm>> -> memref<100000x1024xf32, #tpu.memory_space<hbm>>
    %dma_wait3A_129 = tpu.memref_slice %arg7[%dma_wait3A_118] : memref<4x!tpu.dma_semaphore, #tpu.memory_space<semaphore_mem>> -> memref<1x!tpu.dma_semaphore, #tpu.memory_space<semaphore_mem>>
    %dma_wait3A_130 = tpu.memref_squeeze %dma_wait3A_129 : memref<1x!tpu.dma_semaphore, #tpu.memory_space<semaphore_mem>> -> memref<!tpu.dma_semaphore, #tpu.memory_space<semaphore_mem>>
    tpu.wait_indirect_dma semaphore(%dma_wait3A_130 : memref<!tpu.dma_semaphore, #tpu.memory_space<semaphore_mem>>) src(%dma_wait3A_128 : memref<100000x1024xf32, #tpu.memory_space<hbm>>) dst(%dma_wait3A_122 : memref<16x1024xf32, #tpu.memory_space<vmem>>)
    %add3A_131 = arith.constant 464 : i32
    %add3A_132 = arith.addi %mul3A_2, %add3A_131 : i32
    %dma_start3A_133 = arith.constant 1 : i32
    %dma_start3A_134 = arith.constant 1 : i32
    %dma_start3A_135 = arith.constant 0 : i32
    %dma_start3A_136 = arith.constant 0 : i32
    %dma_start3A_137 = tpu.memref_slice %arg6[%dma_start3A_133, %dma_start3A_135, %dma_start3A_136] : memref<4x16x1024xf32, #tpu.memory_space<vmem>> -> memref<1x16x1024xf32, #tpu.memory_space<vmem>>
    %dma_start3A_138 = tpu.memref_squeeze %dma_start3A_137 : memref<1x16x1024xf32, #tpu.memory_space<vmem>> -> memref<16x1024xf32, #tpu.memory_space<vmem>>
    %dma_start3A_139 = arith.constant 0 : i32
    %dma_start3A_140 = tpu.memref_slice %arg4[%add3A_132, %dma_start3A_139] : memref<16384x1024xf32, #tpu.memory_space<hbm>> -> memref<16x1024xf32, #tpu.memory_space<hbm>>
    %dma_start3A_141 = tpu.memref_slice %arg8[%dma_start3A_134] : memref<4x!tpu.dma_semaphore, #tpu.memory_space<semaphore_mem>> -> memref<1x!tpu.dma_semaphore, #tpu.memory_space<semaphore_mem>>
    %dma_start3A_142 = tpu.memref_squeeze %dma_start3A_141 : memref<1x!tpu.dma_semaphore, #tpu.memory_space<semaphore_mem>> -> memref<!tpu.dma_semaphore, #tpu.memory_space<semaphore_mem>>
    %dma_start3A_143 = arith.constant 0 : i32
    %dma_start3A_144 = tpu.memref_slice %arg4[%add3A_132, %dma_start3A_143] : memref<16384x1024xf32, #tpu.memory_space<hbm>> -> memref<16x1024xf32, #tpu.memory_space<hbm>>
    %dma_start3A_145 = arith.constant 0 : i32
    %dma_start3A_146 = arith.constant 0 : i32
    %dma_start3A_147 = tpu.memref_slice %arg6[%dma_start3A_133, %dma_start3A_145, %dma_start3A_146] : memref<4x16x1024xf32, #tpu.memory_space<vmem>> -> memref<1x16x1024xf32, #tpu.memory_space<vmem>>
    %dma_start3A_148 = tpu.memref_squeeze %dma_start3A_147 : memref<1x16x1024xf32, #tpu.memory_space<vmem>> -> memref<16x1024xf32, #tpu.memory_space<vmem>>
    tpu.enqueue_dma source(%dma_start3A_148 : memref<16x1024xf32, #tpu.memory_space<vmem>>) target(%dma_start3A_144 : memref<16x1024xf32, #tpu.memory_space<hbm>>) target_semaphore(%dma_start3A_142 : memref<!tpu.dma_semaphore, #tpu.memory_space<semaphore_mem>>)
    %dma_wait3A_149 = arith.constant 1 : i32
    %dma_wait3A_150 = arith.constant 1 : i32
    %dma_wait3A_151 = arith.constant 0 : i32
    %dma_wait3A_152 = arith.constant 0 : i32
    %dma_wait3A_153 = tpu.memref_slice %arg6[%dma_wait3A_149, %dma_wait3A_151, %dma_wait3A_152] : memref<4x16x1024xf32, #tpu.memory_space<vmem>> -> memref<1x16x1024xf32, #tpu.memory_space<vmem>>
    %dma_wait3A_154 = tpu.memref_squeeze %dma_wait3A_153 : memref<1x16x1024xf32, #tpu.memory_space<vmem>> -> memref<16x1024xf32, #tpu.memory_space<vmem>>
    %dma_wait3A_155 = arith.constant 0 : i32
    %dma_wait3A_156 = tpu.memref_slice %arg4[%add3A_132, %dma_wait3A_155] : memref<16384x1024xf32, #tpu.memory_space<hbm>> -> memref<16x1024xf32, #tpu.memory_space<hbm>>
    %dma_wait3A_157 = tpu.memref_slice %arg8[%dma_wait3A_150] : memref<4x!tpu.dma_semaphore, #tpu.memory_space<semaphore_mem>> -> memref<1x!tpu.dma_semaphore, #tpu.memory_space<semaphore_mem>>
    %dma_wait3A_158 = tpu.memref_squeeze %dma_wait3A_157 : memref<1x!tpu.dma_semaphore, #tpu.memory_space<semaphore_mem>> -> memref<!tpu.dma_semaphore, #tpu.memory_space<semaphore_mem>>
    %dma_wait3A_159 = arith.constant 0 : i32
    %dma_wait3A_160 = tpu.memref_slice %arg4[%add3A_132, %dma_wait3A_159] : memref<16384x1024xf32, #tpu.memory_space<hbm>> -> memref<16x1024xf32, #tpu.memory_space<hbm>>
    %dma_wait3A_161 = arith.constant 0 : i32
    %dma_wait3A_162 = arith.constant 0 : i32
    %dma_wait3A_163 = tpu.memref_slice %arg6[%dma_wait3A_149, %dma_wait3A_161, %dma_wait3A_162] : memref<4x16x1024xf32, #tpu.memory_space<vmem>> -> memref<1x16x1024xf32, #tpu.memory_space<vmem>>
    %dma_wait3A_164 = tpu.memref_squeeze %dma_wait3A_163 : memref<1x16x1024xf32, #tpu.memory_space<vmem>> -> memref<16x1024xf32, #tpu.memory_space<vmem>>
    tpu.wait_dma2 semaphore(%dma_wait3A_158 : memref<!tpu.dma_semaphore, #tpu.memory_space<semaphore_mem>>) src(%dma_wait3A_164 : memref<16x1024xf32, #tpu.memory_space<vmem>>) dst(%dma_wait3A_160 : memref<16x1024xf32, #tpu.memory_space<hbm>>)
    %dma_wait3A_165 = arith.constant 30 : i32
    %dma_wait3A_166 = arith.constant 2 : i32
    %dma_wait3A_167 = arith.constant 2 : i32
    %dma_wait3A_168 = arith.constant 0 : i32
    %dma_wait3A_169 = arith.constant 0 : i32
    %dma_wait3A_170 = tpu.memref_slice %arg6[%dma_wait3A_166, %dma_wait3A_168, %dma_wait3A_169] : memref<4x16x1024xf32, #tpu.memory_space<vmem>> -> memref<1x16x1024xf32, #tpu.memory_space<vmem>>
    %dma_wait3A_171 = tpu.memref_squeeze %dma_wait3A_170 : memref<1x16x1024xf32, #tpu.memory_space<vmem>> -> memref<16x1024xf32, #tpu.memory_space<vmem>>
    %dma_wait3A_172 = arith.constant 0 : i32
    %dma_wait3A_173 = tpu.memref_slice %arg5[%dma_wait3A_165, %dma_wait3A_172] : memref<32x16xi32, #tpu.memory_space<vmem>> -> memref<1x16xi32, #tpu.memory_space<vmem>>
    %dma_wait3A_174 = tpu.memref_squeeze %dma_wait3A_173 : memref<1x16xi32, #tpu.memory_space<vmem>> -> memref<16xi32, #tpu.memory_space<vmem>>
    %dma_wait3A_175 = arith.constant 0 : i32
    %dma_wait3A_176 = arith.constant 0 : i32
    %dma_wait3A_177 = tpu.memref_slice %arg3[%dma_wait3A_175, %dma_wait3A_176] : memref<100000x1024xf32, #tpu.memory_space<hbm>> -> memref<100000x1024xf32, #tpu.memory_space<hbm>>
    %dma_wait3A_178 = tpu.memref_slice %arg7[%dma_wait3A_167] : memref<4x!tpu.dma_semaphore, #tpu.memory_space<semaphore_mem>> -> memref<1x!tpu.dma_semaphore, #tpu.memory_space<semaphore_mem>>
    %dma_wait3A_179 = tpu.memref_squeeze %dma_wait3A_178 : memref<1x!tpu.dma_semaphore, #tpu.memory_space<semaphore_mem>> -> memref<!tpu.dma_semaphore, #tpu.memory_space<semaphore_mem>>
    tpu.wait_indirect_dma semaphore(%dma_wait3A_179 : memref<!tpu.dma_semaphore, #tpu.memory_space<semaphore_mem>>) src(%dma_wait3A_177 : memref<100000x1024xf32, #tpu.memory_space<hbm>>) dst(%dma_wait3A_171 : memref<16x1024xf32, #tpu.memory_space<vmem>>)
    %add3A_180 = arith.constant 480 : i32
    %add3A_181 = arith.addi %mul3A_2, %add3A_180 : i32
    %dma_start3A_182 = arith.constant 2 : i32
    %dma_start3A_183 = arith.constant 2 : i32
    %dma_start3A_184 = arith.constant 0 : i32
    %dma_start3A_185 = arith.constant 0 : i32
    %dma_start3A_186 = tpu.memref_slice %arg6[%dma_start3A_182, %dma_start3A_184, %dma_start3A_185] : memref<4x16x1024xf32, #tpu.memory_space<vmem>> -> memref<1x16x1024xf32, #tpu.memory_space<vmem>>
    %dma_start3A_187 = tpu.memref_squeeze %dma_start3A_186 : memref<1x16x1024xf32, #tpu.memory_space<vmem>> -> memref<16x1024xf32, #tpu.memory_space<vmem>>
    %dma_start3A_188 = arith.constant 0 : i32
    %dma_start3A_189 = tpu.memref_slice %arg4[%add3A_181, %dma_start3A_188] : memref<16384x1024xf32, #tpu.memory_space<hbm>> -> memref<16x1024xf32, #tpu.memory_space<hbm>>
    %dma_start3A_190 = tpu.memref_slice %arg8[%dma_start3A_183] : memref<4x!tpu.dma_semaphore, #tpu.memory_space<semaphore_mem>> -> memref<1x!tpu.dma_semaphore, #tpu.memory_space<semaphore_mem>>
    %dma_start3A_191 = tpu.memref_squeeze %dma_start3A_190 : memref<1x!tpu.dma_semaphore, #tpu.memory_space<semaphore_mem>> -> memref<!tpu.dma_semaphore, #tpu.memory_space<semaphore_mem>>
    %dma_start3A_192 = arith.constant 0 : i32
    %dma_start3A_193 = tpu.memref_slice %arg4[%add3A_181, %dma_start3A_192] : memref<16384x1024xf32, #tpu.memory_space<hbm>> -> memref<16x1024xf32, #tpu.memory_space<hbm>>
    %dma_start3A_194 = arith.constant 0 : i32
    %dma_start3A_195 = arith.constant 0 : i32
    %dma_start3A_196 = tpu.memref_slice %arg6[%dma_start3A_182, %dma_start3A_194, %dma_start3A_195] : memref<4x16x1024xf32, #tpu.memory_space<vmem>> -> memref<1x16x1024xf32, #tpu.memory_space<vmem>>
    %dma_start3A_197 = tpu.memref_squeeze %dma_start3A_196 : memref<1x16x1024xf32, #tpu.memory_space<vmem>> -> memref<16x1024xf32, #tpu.memory_space<vmem>>
    tpu.enqueue_dma source(%dma_start3A_197 : memref<16x1024xf32, #tpu.memory_space<vmem>>) target(%dma_start3A_193 : memref<16x1024xf32, #tpu.memory_space<hbm>>) target_semaphore(%dma_start3A_191 : memref<!tpu.dma_semaphore, #tpu.memory_space<semaphore_mem>>)
    %dma_wait3A_198 = arith.constant 2 : i32
    %dma_wait3A_199 = arith.constant 2 : i32
    %dma_wait3A_200 = arith.constant 0 : i32
    %dma_wait3A_201 = arith.constant 0 : i32
    %dma_wait3A_202 = tpu.memref_slice %arg6[%dma_wait3A_198, %dma_wait3A_200, %dma_wait3A_201] : memref<4x16x1024xf32, #tpu.memory_space<vmem>> -> memref<1x16x1024xf32, #tpu.memory_space<vmem>>
    %dma_wait3A_203 = tpu.memref_squeeze %dma_wait3A_202 : memref<1x16x1024xf32, #tpu.memory_space<vmem>> -> memref<16x1024xf32, #tpu.memory_space<vmem>>
    %dma_wait3A_204 = arith.constant 0 : i32
    %dma_wait3A_205 = tpu.memref_slice %arg4[%add3A_181, %dma_wait3A_204] : memref<16384x1024xf32, #tpu.memory_space<hbm>> -> memref<16x1024xf32, #tpu.memory_space<hbm>>
    %dma_wait3A_206 = tpu.memref_slice %arg8[%dma_wait3A_199] : memref<4x!tpu.dma_semaphore, #tpu.memory_space<semaphore_mem>> -> memref<1x!tpu.dma_semaphore, #tpu.memory_space<semaphore_mem>>
    %dma_wait3A_207 = tpu.memref_squeeze %dma_wait3A_206 : memref<1x!tpu.dma_semaphore, #tpu.memory_space<semaphore_mem>> -> memref<!tpu.dma_semaphore, #tpu.memory_space<semaphore_mem>>
    %dma_wait3A_208 = arith.constant 0 : i32
    %dma_wait3A_209 = tpu.memref_slice %arg4[%add3A_181, %dma_wait3A_208] : memref<16384x1024xf32, #tpu.memory_space<hbm>> -> memref<16x1024xf32, #tpu.memory_space<hbm>>
    %dma_wait3A_210 = arith.constant 0 : i32
    %dma_wait3A_211 = arith.constant 0 : i32
    %dma_wait3A_212 = tpu.memref_slice %arg6[%dma_wait3A_198, %dma_wait3A_210, %dma_wait3A_211] : memref<4x16x1024xf32, #tpu.memory_space<vmem>> -> memref<1x16x1024xf32, #tpu.memory_space<vmem>>
    %dma_wait3A_213 = tpu.memref_squeeze %dma_wait3A_212 : memref<1x16x1024xf32, #tpu.memory_space<vmem>> -> memref<16x1024xf32, #tpu.memory_space<vmem>>
    tpu.wait_dma2 semaphore(%dma_wait3A_207 : memref<!tpu.dma_semaphore, #tpu.memory_space<semaphore_mem>>) src(%dma_wait3A_213 : memref<16x1024xf32, #tpu.memory_space<vmem>>) dst(%dma_wait3A_209 : memref<16x1024xf32, #tpu.memory_space<hbm>>)
    %dma_wait3A_214 = arith.constant 31 : i32
    %dma_wait3A_215 = arith.constant 3 : i32
    %dma_wait3A_216 = arith.constant 3 : i32
    %dma_wait3A_217 = arith.constant 0 : i32
    %dma_wait3A_218 = arith.constant 0 : i32
    %dma_wait3A_219 = tpu.memref_slice %arg6[%dma_wait3A_215, %dma_wait3A_217, %dma_wait3A_218] : memref<4x16x1024xf32, #tpu.memory_space<vmem>> -> memref<1x16x1024xf32, #tpu.memory_space<vmem>>
    %dma_wait3A_220 = tpu.memref_squeeze %dma_wait3A_219 : memref<1x16x1024xf32, #tpu.memory_space<vmem>> -> memref<16x1024xf32, #tpu.memory_space<vmem>>
    %dma_wait3A_221 = arith.constant 0 : i32
    %dma_wait3A_222 = tpu.memref_slice %arg5[%dma_wait3A_214, %dma_wait3A_221] : memref<32x16xi32, #tpu.memory_space<vmem>> -> memref<1x16xi32, #tpu.memory_space<vmem>>
    %dma_wait3A_223 = tpu.memref_squeeze %dma_wait3A_222 : memref<1x16xi32, #tpu.memory_space<vmem>> -> memref<16xi32, #tpu.memory_space<vmem>>
    %dma_wait3A_224 = arith.constant 0 : i32
    %dma_wait3A_225 = arith.constant 0 : i32
    %dma_wait3A_226 = tpu.memref_slice %arg3[%dma_wait3A_224, %dma_wait3A_225] : memref<100000x1024xf32, #tpu.memory_space<hbm>> -> memref<100000x1024xf32, #tpu.memory_space<hbm>>
    %dma_wait3A_227 = tpu.memref_slice %arg7[%dma_wait3A_216] : memref<4x!tpu.dma_semaphore, #tpu.memory_space<semaphore_mem>> -> memref<1x!tpu.dma_semaphore, #tpu.memory_space<semaphore_mem>>
    %dma_wait3A_228 = tpu.memref_squeeze %dma_wait3A_227 : memref<1x!tpu.dma_semaphore, #tpu.memory_space<semaphore_mem>> -> memref<!tpu.dma_semaphore, #tpu.memory_space<semaphore_mem>>
    tpu.wait_indirect_dma semaphore(%dma_wait3A_228 : memref<!tpu.dma_semaphore, #tpu.memory_space<semaphore_mem>>) src(%dma_wait3A_226 : memref<100000x1024xf32, #tpu.memory_space<hbm>>) dst(%dma_wait3A_220 : memref<16x1024xf32, #tpu.memory_space<vmem>>)
    %add3A_229 = arith.constant 496 : i32
    %add3A_230 = arith.addi %mul3A_2, %add3A_229 : i32
    %dma_start3A_231 = arith.constant 3 : i32
    %dma_start3A_232 = arith.constant 3 : i32
    %dma_start3A_233 = arith.constant 0 : i32
    %dma_start3A_234 = arith.constant 0 : i32
    %dma_start3A_235 = tpu.memref_slice %arg6[%dma_start3A_231, %dma_start3A_233, %dma_start3A_234] : memref<4x16x1024xf32, #tpu.memory_space<vmem>> -> memref<1x16x1024xf32, #tpu.memory_space<vmem>>
    %dma_start3A_236 = tpu.memref_squeeze %dma_start3A_235 : memref<1x16x1024xf32, #tpu.memory_space<vmem>> -> memref<16x1024xf32, #tpu.memory_space<vmem>>
    %dma_start3A_237 = arith.constant 0 : i32
    %dma_start3A_238 = tpu.memref_slice %arg4[%add3A_230, %dma_start3A_237] : memref<16384x1024xf32, #tpu.memory_space<hbm>> -> memref<16x1024xf32, #tpu.memory_space<hbm>>
    %dma_start3A_239 = tpu.memref_slice %arg8[%dma_start3A_232] : memref<4x!tpu.dma_semaphore, #tpu.memory_space<semaphore_mem>> -> memref<1x!tpu.dma_semaphore, #tpu.memory_space<semaphore_mem>>
    %dma_start3A_240 = tpu.memref_squeeze %dma_start3A_239 : memref<1x!tpu.dma_semaphore, #tpu.memory_space<semaphore_mem>> -> memref<!tpu.dma_semaphore, #tpu.memory_space<semaphore_mem>>
    %dma_start3A_241 = arith.constant 0 : i32
    %dma_start3A_242 = tpu.memref_slice %arg4[%add3A_230, %dma_start3A_241] : memref<16384x1024xf32, #tpu.memory_space<hbm>> -> memref<16x1024xf32, #tpu.memory_space<hbm>>
    %dma_start3A_243 = arith.constant 0 : i32
    %dma_start3A_244 = arith.constant 0 : i32
    %dma_start3A_245 = tpu.memref_slice %arg6[%dma_start3A_231, %dma_start3A_243, %dma_start3A_244] : memref<4x16x1024xf32, #tpu.memory_space<vmem>> -> memref<1x16x1024xf32, #tpu.memory_space<vmem>>
    %dma_start3A_246 = tpu.memref_squeeze %dma_start3A_245 : memref<1x16x1024xf32, #tpu.memory_space<vmem>> -> memref<16x1024xf32, #tpu.memory_space<vmem>>
    tpu.enqueue_dma source(%dma_start3A_246 : memref<16x1024xf32, #tpu.memory_space<vmem>>) target(%dma_start3A_242 : memref<16x1024xf32, #tpu.memory_space<hbm>>) target_semaphore(%dma_start3A_240 : memref<!tpu.dma_semaphore, #tpu.memory_space<semaphore_mem>>)
    %dma_wait3A_247 = arith.constant 3 : i32
    %dma_wait3A_248 = arith.constant 3 : i32
    %dma_wait3A_249 = arith.constant 0 : i32
    %dma_wait3A_250 = arith.constant 0 : i32
    %dma_wait3A_251 = tpu.memref_slice %arg6[%dma_wait3A_247, %dma_wait3A_249, %dma_wait3A_250] : memref<4x16x1024xf32, #tpu.memory_space<vmem>> -> memref<1x16x1024xf32, #tpu.memory_space<vmem>>
    %dma_wait3A_252 = tpu.memref_squeeze %dma_wait3A_251 : memref<1x16x1024xf32, #tpu.memory_space<vmem>> -> memref<16x1024xf32, #tpu.memory_space<vmem>>
    %dma_wait3A_253 = arith.constant 0 : i32
    %dma_wait3A_254 = tpu.memref_slice %arg4[%add3A_230, %dma_wait3A_253] : memref<16384x1024xf32, #tpu.memory_space<hbm>> -> memref<16x1024xf32, #tpu.memory_space<hbm>>
    %dma_wait3A_255 = tpu.memref_slice %arg8[%dma_wait3A_248] : memref<4x!tpu.dma_semaphore, #tpu.memory_space<semaphore_mem>> -> memref<1x!tpu.dma_semaphore, #tpu.memory_space<semaphore_mem>>
    %dma_wait3A_256 = tpu.memref_squeeze %dma_wait3A_255 : memref<1x!tpu.dma_semaphore, #tpu.memory_space<semaphore_mem>> -> memref<!tpu.dma_semaphore, #tpu.memory_space<semaphore_mem>>
    %dma_wait3A_257 = arith.constant 0 : i32
    %dma_wait3A_258 = tpu.memref_slice %arg4[%add3A_230, %dma_wait3A_257] : memref<16384x1024xf32, #tpu.memory_space<hbm>> -> memref<16x1024xf32, #tpu.memory_space<hbm>>
    %dma_wait3A_259 = arith.constant 0 : i32
    %dma_wait3A_260 = arith.constant 0 : i32
    %dma_wait3A_261 = tpu.memref_slice %arg6[%dma_wait3A_247, %dma_wait3A_259, %dma_wait3A_260] : memref<4x16x1024xf32, #tpu.memory_space<vmem>> -> memref<1x16x1024xf32, #tpu.memory_space<vmem>>
    %dma_wait3A_262 = tpu.memref_squeeze %dma_wait3A_261 : memref<1x16x1024xf32, #tpu.memory_space<vmem>> -> memref<16x1024xf32, #tpu.memory_space<vmem>>
    tpu.wait_dma2 semaphore(%dma_wait3A_256 : memref<!tpu.dma_semaphore, #tpu.memory_space<semaphore_mem>>) src(%dma_wait3A_262 : memref<16x1024xf32, #tpu.memory_space<vmem>>) dst(%dma_wait3A_258 : memref<16x1024xf32, #tpu.memory_space<hbm>>)
    return
  }
}

</mosaic_0001>

<sc_bundles>
// kernel: _embed.3.cloned.1.call-start
scs
__scs_entry_jumppad:
0x0: {  	(pc) =	sbr.rel $0x88, $3  }
0x1: {  	(tag) =	ssettag $0x0;
	lr =	simm.s32 $0x1  }
0x2: {  	[smem:$0x3F9F] =	sst lr;
	_ =	strace $0xD0000000  }
0x3: {  	_ = 	snop  }
0x4: {  	_ = 	snop  }
0x5: {  	_ = 	snop  }
0x6: {  	_ = 	snop  }
0x7: {  	_ = 	snop  }
__scs_overlays_trampoline_lowered:
0x8: {  	[smem:$0x3FAE] =	sst s0  }
0x9: {  	[smem:$0x3FAF] =	sst s1  }
0xa: {  	[smem:$0x3FB0] =	sst s2  }
0xb: {  	[smem:$0x3FB1] =	sst s3  }
0xc: {  	[smem:$0x3FB2] =	sst s4  }
0xd: {  	[smem:$0x3FB3] =	sst s5  }
0xe: {  	[smem:$0x3FB4] =	sst s6  }
0xf: {  	[smem:$0x3FB5] =	sst s7  }
0x10: {  	[smem:$0x3FB6] =	sst s8  }
0x11: {  	[smem:$0x3FB7] =	sst s9;
	s0 =	simm.s32 @!p0 $0x0  }
0x12: {  	s1 =	sld [smem:$0x3F9D];
	s0 =	simm.s32 @p0 $0x1  }
0x13: {  	[smem:$0x3FB8] =	sst s0;
	s0 =	simm.s32 @!p1 $0x0  }
0x14: {  	s2 =	sld [smem:$0x3F9C];
	s0 =	simm.s32 @p1 $0x1  }
0x15: {  	[smem:$0x3FB9] =	sst s0;
	s0 =	simm.s32 @!p2 $0x0  }
0x16: {  	s3 =	sld [smem:$0x3FDB];
	s0 =	simm.s32 @p2 $0x1  }
0x17: {  	s4 =	simm.s32 $0x1BF5;
	[smem:$0x3FBB] =	sst s0  }
0x18: {  	s0 =	sld [smem:$0x3F9E];
	_ =	swait.ge [sflag:s4], $0x0  }
0x19: {  	s7 =	sld [smem:$0x3F9F]  }
0x1a: {  	s8 =	sadd.s32 $0xFFFFE003, lr  }
0x1b: {  	s9 =	sadd.s32 $0xFFFFFEF7, lr;
	s5 =	simm.s32 $0xFFFFFFFF;
	p2 =	slt.u32 s8, $0xFFFFF086  }
0x1c: {  	p1 =	slt.u32 s9, $0xF7A;
	s5 =	simm.s32 @!p2 $0x0  }
0x1d: {  	s5 =	simm.s32 @p1 $0x1;
	p0 =	seq.s32 s7, s2  }
0x1e: {  	s7 =	smul.u32 @!p0 $0xF7A, s2;
	p2 =	seq.s32 @!p0 s5, $0x0  }
0x1f: {  	s9 =	smul.u32 $0xF7A, s1;
	s8 =	simm.s32 @!p0 $0x1BF5;
	p2 =	por !p2, p0  }
0x20: {  	[sflag:s8] =	ssyncset.s32 @!p0 $0xFFFFF086;
	s6 =	sadd.s32 @!p0 s3, s7;
	s7 =	simm.s32 @!p0 $0x108  }
0x21: {  	s3 =	sadd.s32 s3, s9;
	s6 =	sadd.s32 @!p0 $0x88, s6;
	s7 =	simm.s32 @p2 $0x1082  }
0x22: {  	[simem:s7], [sflag:s8] =	dma.local @!p0 [hbm:s6], $0xF7A  }
0x23: {  	s9 =	sor.u32 $0xD0000000, s2;
	s6 =	simm.s32 $0x108;
	_ =	swait.ge @!p0 [sflag:s8], $0x0  }
0x24: {  	s3 =	sadd.s32 $0x88, s3;
	s6 =	simm.s32 @!p1 $0x1082;
	[sflag:s4] =	ssyncset.s32 $0xFFFFF086  }
0x25: {  	[simem:s6], [sflag:s4] =	dma.local [hbm:s3], $0xF7A  }
0x26: {  	[smem:$0x3F9F] =	sst s1;
	(tag) =	ssettag s2;
	_ =	strace s9  }
0x27: {  	s1 =	sld [smem:$0x3FAF]  }
0x28: {  	s2 =	sld [smem:$0x3FB0]  }
0x29: {  	s4 =	sld [smem:$0x3FB2]  }
0x2a: {  	p0 =	seq.s32 s5, $0x0;
	s5 =	sld [smem:$0x3FB3]  }
0x2b: {  	s6 =	sld [smem:$0x3FB4]  }
0x2c: {  	s7 =	sld [smem:$0x3FB5]  }
0x2d: {  	s3 =	simm.s32 $0x108;
	s8 =	sld [smem:$0x3FB6]  }
0x2e: {  	s3 =	simm.s32 @!p0 $0x1082;
	s9 =	sld [smem:$0x3FB7]  }
0x2f: {  	lr =	sadd.s32 s0, s3;
	s0 =	sld [smem:$0x3FAE]  }
0x30: {  	s3 =	sld [smem:$0x3FB1]  }
0x31: {  	[smem:$0x3FBA] =	sst s10  }
0x32: {  	s10 =	sld [smem:$0x3FB8];
	_ =	sdelay $0x3  }
0x33: {  	p0 =	seq.s32 s10, $0x1;
	s10 =	sld [smem:$0x3FBA];
	_ =	sdelay $0x3  }
0x34: {  	[smem:$0x3FBA] =	sst s10  }
0x35: {  	s10 =	sld [smem:$0x3FB9];
	_ =	sdelay $0x3  }
0x36: {  	p1 =	seq.s32 s10, $0x1;
	s10 =	sld [smem:$0x3FBA];
	_ =	sdelay $0x3  }
0x37: {  	[smem:$0x3FBA] =	sst s10  }
0x38: {  	s10 =	sld [smem:$0x3FBB]  }
0x39: {  	_ = 	snop;
	(pc) =	sbr.ind lr, $3  }
0x3a: {  	_ = 	snop  }
0x3b: {  	_ = 	snop  }
0x3c: {  	p2 =	seq.s32 s10, $0x1;
	s10 =	sld [smem:$0x3FBA]  }
0x3d: {  	_ =	shalt  }
0x3e: {  	_ =	shalt  }
0x3f: {  	_ =	shalt  }
0x40: {  	_ =	shalt  }
0x41: {  	_ =	shalt  }
0x42: {  	_ =	shalt  }
0x43: {  	_ =	shalt  }
0x44: {  	_ =	shalt  }
0x45: {  	_ =	shalt  }
0x46: {  	_ =	shalt  }
0x47: {  	_ =	shalt  }
0x48: {  	_ =	shalt  }
0x49: {  	_ =	shalt  }
0x4a: {  	_ =	shalt  }
0x4b: {  	_ =	shalt  }
0x4c: {  	_ =	shalt  }
0x4d: {  	_ =	shalt  }
0x4e: {  	_ =	shalt  }
0x4f: {  	_ =	shalt  }
0x50: {  	_ =	shalt  }
0x51: {  	_ =	shalt  }
0x52: {  	_ =	shalt  }
0x53: {  	_ =	shalt  }
0x54: {  	_ =	shalt  }
0x55: {  	_ =	shalt  }
0x56: {  	_ =	shalt  }
0x57: {  	_ =	shalt  }
0x58: {  	_ =	shalt  }
0x59: {  	_ =	shalt  }
0x5a: {  	_ =	shalt  }
0x5b: {  	_ =	shalt  }
0x5c: {  	_ =	shalt  }
0x5d: {  	_ =	shalt  }
0x5e: {  	_ =	shalt  }
0x5f: {  	_ =	shalt  }
0x60: {  	_ =	shalt  }
0x61: {  	_ =	shalt  }
0x62: {  	_ =	shalt  }
0x63: {  	_ =	shalt  }
0x64: {  	_ =	shalt  }
0x65: {  	_ =	shalt  }
0x66: {  	_ =	shalt  }
0x67: {  	_ =	shalt  }
0x68: {  	_ =	shalt  }
0x69: {  	_ =	shalt  }
0x6a: {  	_ =	shalt  }
0x6b: {  	_ =	shalt  }
0x6c: {  	_ =	shalt  }
0x6d: {  	_ =	shalt  }
0x6e: {  	_ =	shalt  }
0x6f: {  	_ =	shalt  }
0x70: {  	_ =	shalt  }
0x71: {  	_ =	shalt  }
0x72: {  	_ =	shalt  }
0x73: {  	_ =	shalt  }
0x74: {  	_ =	shalt  }
0x75: {  	_ =	shalt  }
0x76: {  	_ =	shalt  }
0x77: {  	_ =	shalt  }
0x78: {  	_ =	shalt  }
0x79: {  	_ =	shalt  }
0x7a: {  	_ =	shalt  }
0x7b: {  	_ =	shalt  }
0x7c: {  	_ =	shalt  }
0x7d: {  	_ =	shalt  }
0x7e: {  	_ =	shalt  }
0x7f: {  	_ =	shalt  }
0x80: {  	_ =	shalt  }
0x81: {  	_ =	shalt  }
0x82: {  	_ =	shalt  }
0x83: {  	_ =	shalt  }
0x84: {  	_ =	shalt  }
0x85: {  	_ =	shalt  }
0x86: {  	_ =	shalt  }
0x87: {  	_ =	shalt  }
.Lfunc_end0:
.L_simem_size_0:
called_computation_lowered:
.L_overlay_start_0:
0x88: {  	s2 =	sld [smem:$0x3FD9]  }
0x89: {  	s3 =	sld [smem:$0x3FFE];
	_ =	sdelay $0x1  }
0x8a: {  	s1 =	srdreg.scid  }
0x8b: {  	s0 =	sand.u32 $0x1, s1  }
0x8c: {  	s17 =	sshll.u32 s0, $0xA;
	s2 =	sadd.s32 s3, s2  }
0x8d: {  	s2 =	sadd.s32 s2, s17  }
0x8e: {  	[smem:$0x3FC6] =	sst s2  }
0x8f: {  	_ = 	snop  }
0x90: {  	s2 =	sld [smem:$0x3FC8]  }
0x91: {  	s18 =	sld [smem:$0x3FD0];
	(tm) =	ssettm $0x1  }
0x92: {  	s4 =	sld [smem:$0x3FFB];
	_ =	sdelay $0x3  }
0x93: {  	_ =	strace s4  }
0x94: {  	s4 =	sld [smem:$0x3FFC];
	_ =	sdelay $0x3  }
0x95: {  	_ =	strace s4  }
0x96: {  	s4 =	sld [smem:$0x3FFD];
	_ =	sdelay $0x3  }
0x97: {  	_ =	strace s4  }
0x98: {  	_ =	strace $0x8FFFFFFF  }
0x99: {  	s19 =	sld [smem:$0x3FDB];
	_ =	sdelay $0x1  }
0x9a: {  	s5 =	simm.s32 $_scs_section_size  }
0x9b: {  	s6 =	simm.s32 $_size__tile_overlayer_lowered;
	s7 =	simm.s32 $_tile_overlayer_lowered  }
0x9c: {  	s22 =	simm.s32 $0x1BFF;
	s21 =	sshll.u32 s7, $0x1;
	s4 =	sadd.s32 s5, s19  }
0x9d: {  	s8 =	simm.s32 $0x0;
	s20 =	sshll.u32 s6, $0x1;
	s6 =	sadd.s32 s21, s4  }
0x9e: {  	[timem:s8], [sflag:s22] =	dma.local [hbm:s6], s20  }
0x9f: {  	_ =	swait.ge [sflag:s22], s20  }
0xa0: {  	s5 =	ssub.s32 $0x0, s20;
	[sflag:s22] =	ssyncset.done $0x0  }
0xa1: {  	[sflag:s22] =	ssyncadd.s32 s5;
	_ =	sdelay $0x1  }
0xa2: {  	s23 =	simm.s32 $0x1B8B  }
0xa3: {  	_ =	swait.ge [sflag:s23], $0x1  }
0xa4: {  	[sflag:s23] =	ssyncset.done $0x0  }
0xa5: {  	s25 =	simm.s32 $0x1B8E;
	s24 =	sld [smem:$0x3FFE];
	[sflag:s23] =	ssyncadd.s32 $0xFFFFFFFF  }
0xa6: {  	s26 =	simm.s32 $execute0_lowered;
	[smem:$0x3FD2] =	sst s25  }
0xa7: {  	s6 =	sshll.u32 s26, $0x1;
	_ =	strace $0x80000046;
	[dreg:$0x1] =	wrdreg $0xFFFFFFFF  }
0xa8: {  	s28 =	simm.s32 $_size_execute0_lowered;
	s4 =	sadd.s32 s4, s6;
	[dreg:$0x0] =	wrdreg $0x0  }
0xa9: {  	s6 =	sshll.u32 s28, $0x1;
	[dreg:$0x2] =	wrdreg s4  }
0xaa: {  	[dreg:$0x3] =	wrdreg s6  }
0xab: {  	[dreg:$0x4] =	wrdreg $0xC0  }
0xac: {  	_ =	task [dreg:s8], $0x5FFFF  }
0xad: {  	[dreg:$0x1] =	wrdreg $0xFFFFFFFF  }
0xae: {  	[dreg:$0x0] =	wrdreg $0x60  }
0xaf: {  	[dreg:$0x2] =	wrdreg s24  }
0xb0: {  	[dreg:$0x3] =	wrdreg s2  }
0xb1: {  	[dreg:$0x4] =	wrdreg s18  }
0xb2: {  	[dreg:$0x5] =	wrdreg $0x9  }
0xb3: {  	_ =	task.clear_ibuf [dreg:s8], $0x6FFFF;
	_ =	strace $0x90000046  }
0xb4: {  	s29 =	simm.s32 $0x9;
	_ =	strace $0x80000048  }
0xb5: {  	_ =	swait.ge [sflag:s29], $0x1  }
0xb6: {  	[sflag:s29] =	ssyncadd.s32 $0xFFFFFFFF  }
0xb7: {  	_ =	strace $0x90000048  }
0xb8: {  	_ =	sfence  }
0xb9: {  	s30 =	sld [smem:$0x0];
	_ =	sdelay $0x2  }
0xba: {  	s31 =	sshll.u32 s1, $0xD;
	s1 =	sshrl.u32 s1, $0x2  }
0xbb: {  	s3 =	sand.u32 $0x4000, s31;
	s1 =	sadd.s32 s1, s30  }
0xbc: {  	s0 =	sor.u32 s3, s0;
	s1 =	sshll.u32 s1, $0x11  }
0xbd: {  	s0 =	sor.u32 s1, s0  }
0xbe: {  	s0 =	sadd.s32 $0x8F2B, s0  }
0xbf: {  	[sflag:s0] =	ssyncadd.remote.s32 $0x1  }
0xc0: {  	_ =	sfence.sel $0xFFFF  }
0xc1: {  	[dreg:$0x0] =	wrdreg $0xFFFFFFFF;
	(pc) =	sbr.abs _section_cstart, $3  }
0xc2: {  	[dreg:$0x1] =	wrdreg $0xFFFFFFFF  }
0xc3: {  	_ =	task.clear_ibuf [dreg:s8], $0x2FFFF;
	_ =	strace $0x9FFFFFFF  }
0xc4: {  	(tm) =	ssettm $0x7FFFFFFF  }
0xc5: {  	_ =	shalt  }
tec
execute0_lowered:
.L_overlay_start_1:
0x0: {  	(tag) =	ssettag $0x1  }
0x1: {  	s0 =	rddreg [dreg:$0x0]  }
0x2: {  	s2 =	rddreg [dreg:$0x1];
	s1 =	srdreg.scid  }
0x3: {  	s9 =	stileid.u32;
	s4 =	rddreg [dreg:$0x2]  }
0x4: {  	s19 =	simm.s32 $0x4000;
	s13 =	simm.s32 $0x4800;
	s31 =	simm.s32 $0x5000  }
0x5: {  	s15 =	simm.s32 $0x5800;
	s16 =	simm.s32 $0x6000;
	s17 =	simm.s32 $0x6800  }
0x6: {  	s18 =	simm.s32 $0x7000;
	s14 =	simm.s32 $0x7800;
	s20 =	simm.s32 $0x8000  }
0x7: {  	s11 =	simm.s32 $0x9000;
	s12 =	simm.s32 $0xD000;
	s21 =	simm.s32 $0x1  }
0x8: {  	s28 =	simm.s32 $0x7;
	s29 =	simm.s32 $0x4;
	s30 =	simm.s32 $0x8  }
0x9: {  	s1 =	sand.u32 $0x1, s1;
	s3 =	sshll.u32 s9, $0x1;
	s9 =	sshll.u32 s9, $0x11  }
0xa: {  	s7 =	sor.u32 s1, s3;
	s3 =	simm.s32 $0x0;
	s6 =	ssub.s32 $0x2, s1  }
0xb: {  	s1 =	sshll.u32 s1, $0x10;
	s5 =	sshll.u32 s7, $0x9;
	[smem:$0x7FF] =	sst s3  }
0xc: {  	s22 =	sshrl.u32 s6, $0x1;
	s23 =	sshll.u32 s7, $0x10;
	s7 =	sadd.s32 $0x300, s2  }
0xd: {  	s0 =	sadd.s32 s5, s0;
	_ =	strace $0x80000047;
	s8 =	ssub.s32 s6, s22  }
0xe: {  	s5 =	sadd.s32 $0x100, s2;
	s6 =	sadd.s32 $0x200, s2;
	s0 =	sadd.s32 $0x400, s0  }
0xf: {  	s26 =	smax.u32 s8, $0x1;
	[dreg:$0x5] =	wrdreg s0;
	s0 =	sadd.s32 s23, s4  }
0x10: {  	s22 =	simm.s32 $0x1000;
	[dreg:$0xa] =	wrdreg s26;
	s10 =	sadd.s32 $0xE000, s0  }
0x11: {  	s8 =	simm.s32 $0x1800;
	s24 =	sadd.s32 $0xE800, s0;
	[dreg:$0x6] =	wrdreg s10  }
0x12: {  	s4 =	sadd.s32 s9, s4;
	s25 =	sadd.s32 $0xF000, s0;
	[dreg:$0x7] =	wrdreg s24  }
0x13: {  	s9 =	simm.s32 $0x3000;
	s0 =	sadd.s32 $0xF800, s0;
	[dreg:$0x8] =	wrdreg s25  }
0x14: {  	s23 =	simm.s32 $0x5;
	s1 =	sadd.s32 s1, s4;
	[dreg:$0x9] =	wrdreg s0  }
0x15: {  	v2 =	vlaneseq.u32;
	s26 =	simm.s32 $0x3;
	s4 =	simm.s32 $0x2800;
	[dreg:$0x4] =	wrdreg s1  }
0x16: {  	vm0 =	vmmov $0xffff;
	v1 =	vshrl.u32 v2, $0x3;
	s1 =	simm.s32 $0x2000;
	s10 =	simm.s32 $0x3800;
	s0 =	simm.s32 $0x0  }
0x17: {  	v0 =	vand.u32 $0x7, v2;
	v2 =	vor.u32 $0x8, v2;
	v1 =	vmul.u32 $0x8, v1;
	s24 =	simm.s32 $0x2;
	s25 =	simm.s32 $0x6;
	[dreg:$0xb] =	wrdreg s0  }
.LBB2_1:
0x18: {  	s0 =	rddreg [dreg:$0x5]  }
0x19: {  	[tilespmem:s3], [sflag:$0x9] =	stream.linear.gather [hbm4b:s0+s3], $0x1000, $0x38;
	[tilespmem:$0x11000] =	vst v63  }
0x1a: {  	s0 =	simm.s32 $0x9  }
0x1b: {  	_ =	swait.ge [sflag:s0], $0x1000  }
0x1c: {  	[sflag:s0] =	ssyncset.done $0x0  }
0x1d: {  	[sflag:s0] =	ssyncadd.s32 $0xFFFFF000  }
0x1e: {  	v3 =	vld [tilespmem:$0x0];
	_ =	sdelay $0x4  }
0x1f: {  	v4 =	vshll.u32 v3, $0x3  }
0x20: {  	v3 =	vand.u32 $0x7, v3;
	v4 =	vand.u32 $0xFFFFFFC0, v4  }
0x21: {  	v3 =	vor.u32 v3, v4  }
0x22: {  	v4 =	vperm.xlane v3, v0;
	_ =	sdelay $0x1  }
0x23: {  	v4 =	vadd.s32 v1, v4;
	_ =	sdelay $0x4  }
0x24: {  	[tilespmem:s22], [sflag:$0x1] =	stream.indirect_vreg.gather [hbm4b:s2+s3], $0x80, v4, vm0, $0xb8;
	[tilespmem:$0x11000] =	vst v63  }
0x25: {  	v3 =	vperm.xlane v3, v2  }
0x26: {  	[tilespmem:s8], [sflag:$0x1] =	stream.indirect_vreg.gather [hbm4b:s5+s3], $0x80, v4, vm0, $0xb8;
	[tilespmem:$0x11000] =	vst v63  }
0x27: {  	v3 =	vadd.s32 v1, v3  }
0x28: {  	[tilespmem:s1], [sflag:$0x1] =	stream.indirect_vreg.gather [hbm4b:s6+s3], $0x80, v4, vm0, $0xb8;
	[tilespmem:$0x11000] =	vst v63  }
0x29: {  	_ = 	snop  }
0x2a: {  	[tilespmem:s4], [sflag:$0x1] =	stream.indirect_vreg.gather [hbm4b:s7+s3], $0x80, v4, vm0, $0xb8;
	[tilespmem:$0x11000] =	vst v63  }
0x2b: {  	_ = 	snop  }
0x2c: {  	[tilespmem:s9], [sflag:$0x1] =	stream.indirect_vreg.gather [hbm4b:s2+s3], $0x80, v3, vm0, $0xb8;
	[tilespmem:$0x11000] =	vst v63  }
0x2d: {  	_ = 	snop  }
0x2e: {  	[tilespmem:s10], [sflag:$0x1] =	stream.indirect_vreg.gather [hbm4b:s5+s3], $0x80, v3, vm0, $0xb8;
	[tilespmem:$0x11000] =	vst v63  }
0x2f: {  	_ = 	snop  }
0x30: {  	[tilespmem:s19], [sflag:$0x1] =	stream.indirect_vreg.gather [hbm4b:s6+s3], $0x80, v3, vm0, $0xb8;
	[tilespmem:$0x11000] =	vst v63  }
0x31: {  	_ = 	snop  }
0x32: {  	[tilespmem:s13], [sflag:$0x1] =	stream.indirect_vreg.gather [hbm4b:s7+s3], $0x80, v3, vm0, $0xb8;
	[tilespmem:$0x11000] =	vst v63  }
0x33: {  	v3 =	vld [tilespmem:$0x80];
	_ =	sdelay $0x4  }
0x34: {  	v61 =	vshll.u32 v3, $0x3  }
0x35: {  	v3 =	vand.u32 $0x7, v3;
	v4 =	vand.u32 $0xFFFFFFC0, v61  }
0x36: {  	v3 =	vor.u32 v3, v4  }
0x37: {  	v4 =	vperm.xlane v3, v0;
	_ =	sdelay $0x1  }
0x38: {  	v4 =	vadd.s32 v1, v4;
	_ =	sdelay $0x4  }
0x39: {  	[tilespmem:s31], [sflag:$0x2] =	stream.indirect_vreg.gather [hbm4b:s2+s3], $0x80, v4, vm0, $0xb8;
	[tilespmem:$0x11000] =	vst v63  }
0x3a: {  	v3 =	vperm.xlane v3, v2  }
0x3b: {  	[tilespmem:s15], [sflag:$0x2] =	stream.indirect_vreg.gather [hbm4b:s5+s3], $0x80, v4, vm0, $0xb8;
	[tilespmem:$0x11000] =	vst v63  }
0x3c: {  	v3 =	vadd.s32 v1, v3  }
0x3d: {  	[tilespmem:s16], [sflag:$0x2] =	stream.indirect_vreg.gather [hbm4b:s6+s3], $0x80, v4, vm0, $0xb8;
	[tilespmem:$0x11000] =	vst v63  }
0x3e: {  	_ = 	snop  }
0x3f: {  	[tilespmem:s17], [sflag:$0x2] =	stream.indirect_vreg.gather [hbm4b:s7+s3], $0x80, v4, vm0, $0xb8;
	[tilespmem:$0x11000] =	vst v63  }
0x40: {  	_ = 	snop  }
0x41: {  	[tilespmem:s18], [sflag:$0x2] =	stream.indirect_vreg.gather [hbm4b:s2+s3], $0x80, v3, vm0, $0xb8;
	[tilespmem:$0x11000] =	vst v63  }
0x42: {  	_ = 	snop  }
0x43: {  	[tilespmem:s14], [sflag:$0x2] =	stream.indirect_vreg.gather [hbm4b:s5+s3], $0x80, v3, vm0, $0xb8;
	[tilespmem:$0x11000] =	vst v63  }
0x44: {  	_ = 	snop  }
0x45: {  	[tilespmem:s20], [sflag:$0x2] =	stream.indirect_vreg.gather [hbm4b:s6+s3], $0x80, v3, vm0, $0xb8;
	[tilespmem:$0x11000] =	vst v63  }
0x46: {  	s10 =	simm.s32 $0x8800  }
0x47: {  	[tilespmem:s10], [sflag:$0x2] =	stream.indirect_vreg.gather [hbm4b:s7+s3], $0x80, v3, vm0, $0xb8;
	[tilespmem:$0x11000] =	vst v63  }
0x48: {  	v3 =	vld [tilespmem:$0x100];
	_ =	sdelay $0x4  }
0x49: {  	v62 =	vshll.u32 v3, $0x3  }
0x4a: {  	v3 =	vand.u32 $0x7, v3;
	v4 =	vand.u32 $0xFFFFFFC0, v62  }
0x4b: {  	v3 =	vor.u32 v3, v4  }
0x4c: {  	v4 =	vperm.xlane v3, v0;
	_ =	sdelay $0x1  }
0x4d: {  	v4 =	vadd.s32 v1, v4;
	_ =	sdelay $0x4  }
0x4e: {  	[tilespmem:s11], [sflag:$0x3] =	stream.indirect_vreg.gather [hbm4b:s2+s3], $0x80, v4, vm0, $0xb8;
	[tilespmem:$0x11000] =	vst v63  }
0x4f: {  	v3 =	vperm.xlane v3, v2;
	s11 =	simm.s32 $0x9800  }
0x50: {  	[tilespmem:s11], [sflag:$0x3] =	stream.indirect_vreg.gather [hbm4b:s5+s3], $0x80, v4, vm0, $0xb8;
	[tilespmem:$0x11000] =	vst v63  }
0x51: {  	s13 =	simm.s32 $0xA000;
	v3 =	vadd.s32 v1, v3  }
0x52: {  	[tilespmem:s13], [sflag:$0x3] =	stream.indirect_vreg.gather [hbm4b:s6+s3], $0x80, v4, vm0, $0xb8;
	[tilespmem:$0x11000] =	vst v63  }
0x53: {  	s14 =	simm.s32 $0xA800  }
0x54: {  	[tilespmem:s14], [sflag:$0x3] =	stream.indirect_vreg.gather [hbm4b:s7+s3], $0x80, v4, vm0, $0xb8;
	[tilespmem:$0x11000] =	vst v63  }
0x55: {  	s15 =	simm.s32 $0xB000  }
0x56: {  	[tilespmem:s15], [sflag:$0x3] =	stream.indirect_vreg.gather [hbm4b:s2+s3], $0x80, v3, vm0, $0xb8;
	[tilespmem:$0x11000] =	vst v63  }
0x57: {  	s16 =	simm.s32 $0xB800  }
0x58: {  	[tilespmem:s16], [sflag:$0x3] =	stream.indirect_vreg.gather [hbm4b:s5+s3], $0x80, v3, vm0, $0xb8;
	[tilespmem:$0x11000] =	vst v63  }
0x59: {  	s17 =	simm.s32 $0xC000  }
0x5a: {  	[tilespmem:s17], [sflag:$0x3] =	stream.indirect_vreg.gather [hbm4b:s6+s3], $0x80, v3, vm0, $0xb8;
	[tilespmem:$0x11000] =	vst v63  }
0x5b: {  	s18 =	simm.s32 $0xC800  }
0x5c: {  	[tilespmem:s18], [sflag:$0x3] =	stream.indirect_vreg.gather [hbm4b:s7+s3], $0x80, v3, vm0, $0xb8;
	[tilespmem:$0x11000] =	vst v63  }
0x5d: {  	v3 =	vld [tilespmem:$0x180];
	_ =	sdelay $0x4  }
0x5e: {  	v63 =	vshll.u32 v3, $0x3  }
0x5f: {  	v3 =	vand.u32 $0x7, v3;
	v4 =	vand.u32 $0xFFFFFFC0, v63  }
0x60: {  	v3 =	vor.u32 v3, v4  }
0x61: {  	v4 =	vperm.xlane v3, v0;
	_ =	sdelay $0x1  }
0x62: {  	v4 =	vadd.s32 v1, v4;
	_ =	sdelay $0x4  }
0x63: {  	[tilespmem:s12], [sflag:$0x4] =	stream.indirect_vreg.gather [hbm4b:s2+s3], $0x80, v4, vm0, $0xb8;
	[tilespmem:$0x11000] =	vst v63  }
0x64: {  	s19 =	simm.s32 $0xD800;
	v3 =	vperm.xlane v3, v2  }
0x65: {  	[tilespmem:s19], [sflag:$0x4] =	stream.indirect_vreg.gather [hbm4b:s5+s3], $0x80, v4, vm0, $0xb8;
	[tilespmem:$0x11000] =	vst v63  }
0x66: {  	s20 =	simm.s32 $0xE000;
	v3 =	vadd.s32 v1, v3  }
0x67: {  	[tilespmem:s20], [sflag:$0x4] =	stream.indirect_vreg.gather [hbm4b:s6+s3], $0x80, v4, vm0, $0xb8;
	[tilespmem:$0x11000] =	vst v63  }
0x68: {  	s22 =	simm.s32 $0xE800  }
0x69: {  	[tilespmem:s22], [sflag:$0x4] =	stream.indirect_vreg.gather [hbm4b:s7+s3], $0x80, v4, vm0, $0xb8;
	[tilespmem:$0x11000] =	vst v63  }
0x6a: {  	s0 =	simm.s32 $0x0;
	s1 =	simm.s32 $0x380;
	s31 =	simm.s32 $0xF000  }
0x6b: {  	[tilespmem:s31], [sflag:$0x4] =	stream.indirect_vreg.gather [hbm4b:s2+s3], $0x80, v3, vm0, $0xb8;
	[tilespmem:$0x11000] =	vst v63  }
0x6c: {  	s9 =	simm.s32 $0x10800;
	s10 =	simm.s32 $0x2800;
	s15 =	simm.s32 $0xF800  }
0x6d: {  	[tilespmem:s15], [sflag:$0x4] =	stream.indirect_vreg.gather [hbm4b:s5+s3], $0x80, v3, vm0, $0xb8;
	[tilespmem:$0x11000] =	vst v63  }
0x6e: {  	s13 =	simm.s32 $0x3800;
	s16 =	simm.s32 $0x4800;
	s19 =	simm.s32 $0x10000  }
0x6f: {  	[tilespmem:s19], [sflag:$0x4] =	stream.indirect_vreg.gather [hbm4b:s6+s3], $0x80, v3, vm0, $0xb8;
	[tilespmem:$0x11000] =	vst v63  }
0x70: {  	s17 =	simm.s32 $0x8000;
	s18 =	simm.s32 $0x6000;
	s20 =	simm.s32 $0x7000  }
0x71: {  	[tilespmem:s9], [sflag:$0x4] =	stream.indirect_vreg.gather [hbm4b:s7+s3], $0x80, v3, vm0, $0xb8;
	[tilespmem:$0x11000] =	vst v63  }
.LBB2_2:
0x72: {  	_ =	swait.ge [sflag:s21], $0x4000  }
0x73: {  	s4 =	rddreg [dreg:$0x4];
	[sflag:s21] =	ssyncset.done $0x0  }
0x74: {  	s31 =	simm.s32 $0x1000;
	[sflag:s21] =	ssyncadd.s32 $0xFFFFC000;
	s4 =	sadd.s32 s0, s4  }
0x75: {  	[hbm4b:s4+s3] =	stream.linear.scatter [tilespmem:s31], [sflag:$0x5], $0x4000, $0x38;
	[tilespmem:$0x11000] =	vst v63  }
0x76: {  	_ =	swait.ge [sflag:s23], $0x4000  }
0x77: {  	[sflag:s23] =	ssyncset.done $0x0  }
0x78: {  	[sflag:s23] =	ssyncadd.s32 $0xFFFFC000  }
0x79: {  	v3 =	vld [tilespmem:s1+$0xFFFFFE80];
	_ =	sdelay $0x4  }
0x7a: {  	v4 =	vshll.u32 v3, $0x3  }
0x7b: {  	v3 =	vand.u32 $0x7, v3;
	v4 =	vand.u32 $0xFFFFFFC0, v4  }
0x7c: {  	v3 =	vor.u32 v3, v4  }
0x7d: {  	v4 =	vperm.xlane v3, v0;
	_ =	sdelay $0x1  }
0x7e: {  	v4 =	vadd.s32 v1, v4;
	_ =	sdelay $0x4  }
0x7f: {  	[tilespmem:s31], [sflag:$0x1] =	stream.indirect_vreg.gather [hbm4b:s2+s3], $0x80, v4, vm0, $0xb8;
	[tilespmem:$0x11000] =	vst v63  }
0x80: {  	v3 =	vperm.xlane v3, v2  }
0x81: {  	[tilespmem:s8], [sflag:$0x1] =	stream.indirect_vreg.gather [hbm4b:s5+s3], $0x80, v4, vm0, $0xb8;
	[tilespmem:$0x11000] =	vst v63  }
0x82: {  	s11 =	simm.s32 $0x2000;
	v3 =	vadd.s32 v1, v3  }
0x83: {  	[tilespmem:s11], [sflag:$0x1] =	stream.indirect_vreg.gather [hbm4b:s6+s3], $0x80, v4, vm0, $0xb8;
	[tilespmem:$0x11000] =	vst v63  }
0x84: {  	_ = 	snop  }
0x85: {  	[tilespmem:s10], [sflag:$0x1] =	stream.indirect_vreg.gather [hbm4b:s7+s3], $0x80, v4, vm0, $0xb8;
	[tilespmem:$0x11000] =	vst v63  }
0x86: {  	s14 =	simm.s32 $0x3000  }
0x87: {  	[tilespmem:s14], [sflag:$0x1] =	stream.indirect_vreg.gather [hbm4b:s2+s3], $0x80, v3, vm0, $0xb8;
	[tilespmem:$0x11000] =	vst v63  }
0x88: {  	_ = 	snop  }
0x89: {  	[tilespmem:s13], [sflag:$0x1] =	stream.indirect_vreg.gather [hbm4b:s5+s3], $0x80, v3, vm0, $0xb8;
	[tilespmem:$0x11000] =	vst v63  }
0x8a: {  	s11 =	simm.s32 $0x4000  }
0x8b: {  	[tilespmem:s11], [sflag:$0x1] =	stream.indirect_vreg.gather [hbm4b:s6+s3], $0x80, v3, vm0, $0xb8;
	[tilespmem:$0x11000] =	vst v63  }
0x8c: {  	_ = 	snop  }
0x8d: {  	[tilespmem:s16], [sflag:$0x1] =	stream.indirect_vreg.gather [hbm4b:s7+s3], $0x80, v3, vm0, $0xb8;
	[tilespmem:$0x11000] =	vst v63  }
0x8e: {  	_ =	swait.ge [sflag:s24], $0x4000  }
0x8f: {  	[sflag:s24] =	ssyncset.done $0x0  }
0x90: {  	s14 =	sadd.s32 $0x800, s4;
	s11 =	simm.s32 $0x5000;
	[sflag:s24] =	ssyncadd.s32 $0xFFFFC000  }
0x91: {  	[hbm4b:s14+s3] =	stream.linear.scatter [tilespmem:s11], [sflag:$0x6], $0x4000, $0x38;
	[tilespmem:$0x11000] =	vst v63  }
0x92: {  	_ =	swait.ge [sflag:s25], $0x4000  }
0x93: {  	[sflag:s25] =	ssyncset.done $0x0  }
0x94: {  	[sflag:s25] =	ssyncadd.s32 $0xFFFFC000  }
0x95: {  	v3 =	vld [tilespmem:s1+$0xFFFFFF00];
	_ =	sdelay $0x4  }
0x96: {  	v61 =	vshll.u32 v3, $0x3  }
0x97: {  	v3 =	vand.u32 $0x7, v3;
	v4 =	vand.u32 $0xFFFFFFC0, v61  }
0x98: {  	v3 =	vor.u32 v3, v4  }
0x99: {  	v4 =	vperm.xlane v3, v0;
	_ =	sdelay $0x1  }
0x9a: {  	v4 =	vadd.s32 v1, v4;
	_ =	sdelay $0x4  }
0x9b: {  	[tilespmem:s11], [sflag:$0x2] =	stream.indirect_vreg.gather [hbm4b:s2+s3], $0x80, v4, vm0, $0xb8;
	[tilespmem:$0x11000] =	vst v63  }
0x9c: {  	v3 =	vperm.xlane v3, v2;
	s11 =	simm.s32 $0x5800  }
0x9d: {  	[tilespmem:s11], [sflag:$0x2] =	stream.indirect_vreg.gather [hbm4b:s5+s3], $0x80, v4, vm0, $0xb8;
	[tilespmem:$0x11000] =	vst v63  }
0x9e: {  	v3 =	vadd.s32 v1, v3  }
0x9f: {  	[tilespmem:s18], [sflag:$0x2] =	stream.indirect_vreg.gather [hbm4b:s6+s3], $0x80, v4, vm0, $0xb8;
	[tilespmem:$0x11000] =	vst v63  }
0xa0: {  	s14 =	simm.s32 $0x6800  }
0xa1: {  	[tilespmem:s14], [sflag:$0x2] =	stream.indirect_vreg.gather [hbm4b:s7+s3], $0x80, v4, vm0, $0xb8;
	[tilespmem:$0x11000] =	vst v63  }
0xa2: {  	_ = 	snop  }
0xa3: {  	[tilespmem:s20], [sflag:$0x2] =	stream.indirect_vreg.gather [hbm4b:s2+s3], $0x80, v3, vm0, $0xb8;
	[tilespmem:$0x11000] =	vst v63  }
0xa4: {  	s11 =	simm.s32 $0x7800  }
0xa5: {  	[tilespmem:s11], [sflag:$0x2] =	stream.indirect_vreg.gather [hbm4b:s5+s3], $0x80, v3, vm0, $0xb8;
	[tilespmem:$0x11000] =	vst v63  }
0xa6: {  	_ = 	snop  }
0xa7: {  	[tilespmem:s17], [sflag:$0x2] =	stream.indirect_vreg.gather [hbm4b:s6+s3], $0x80, v3, vm0, $0xb8;
	[tilespmem:$0x11000] =	vst v63  }
0xa8: {  	s14 =	simm.s32 $0x8800  }
0xa9: {  	[tilespmem:s14], [sflag:$0x2] =	stream.indirect_vreg.gather [hbm4b:s7+s3], $0x80, v3, vm0, $0xb8;
	[tilespmem:$0x11000] =	vst v63  }
0xaa: {  	_ =	swait.ge [sflag:s26], $0x4000  }
0xab: {  	[sflag:s26] =	ssyncset.done $0x0  }
0xac: {  	s11 =	sadd.s32 $0x1000, s4;
	s14 =	simm.s32 $0x9000;
	[sflag:s26] =	ssyncadd.s32 $0xFFFFC000  }
0xad: {  	[hbm4b:s11+s3] =	stream.linear.scatter [tilespmem:s14], [sflag:$0x7], $0x4000, $0x38;
	[tilespmem:$0x11000] =	vst v63  }
0xae: {  	_ =	swait.ge [sflag:s28], $0x4000  }
0xaf: {  	[sflag:s28] =	ssyncset.done $0x0  }
0xb0: {  	[sflag:s28] =	ssyncadd.s32 $0xFFFFC000  }
0xb1: {  	v3 =	vld [tilespmem:s1+$0xFFFFFF80];
	_ =	sdelay $0x4  }
0xb2: {  	v62 =	vshll.u32 v3, $0x3  }
0xb3: {  	v3 =	vand.u32 $0x7, v3;
	v4 =	vand.u32 $0xFFFFFFC0, v62  }
0xb4: {  	v3 =	vor.u32 v3, v4  }
0xb5: {  	v4 =	vperm.xlane v3, v0;
	_ =	sdelay $0x1  }
0xb6: {  	v4 =	vadd.s32 v1, v4;
	_ =	sdelay $0x4  }
0xb7: {  	[tilespmem:s14], [sflag:$0x3] =	stream.indirect_vreg.gather [hbm4b:s2+s3], $0x80, v4, vm0, $0xb8;
	[tilespmem:$0x11000] =	vst v63  }
0xb8: {  	v3 =	vperm.xlane v3, v2;
	s14 =	simm.s32 $0x9800  }
0xb9: {  	[tilespmem:s14], [sflag:$0x3] =	stream.indirect_vreg.gather [hbm4b:s5+s3], $0x80, v4, vm0, $0xb8;
	[tilespmem:$0x11000] =	vst v63  }
0xba: {  	v3 =	vadd.s32 v1, v3;
	s14 =	simm.s32 $0xA000  }
0xbb: {  	[tilespmem:s14], [sflag:$0x3] =	stream.indirect_vreg.gather [hbm4b:s6+s3], $0x80, v4, vm0, $0xb8;
	[tilespmem:$0x11000] =	vst v63  }
0xbc: {  	s14 =	simm.s32 $0xA800  }
0xbd: {  	[tilespmem:s14], [sflag:$0x3] =	stream.indirect_vreg.gather [hbm4b:s7+s3], $0x80, v4, vm0, $0xb8;
	[tilespmem:$0x11000] =	vst v63  }
0xbe: {  	s14 =	simm.s32 $0xB000  }
0xbf: {  	[tilespmem:s14], [sflag:$0x3] =	stream.indirect_vreg.gather [hbm4b:s2+s3], $0x80, v3, vm0, $0xb8;
	[tilespmem:$0x11000] =	vst v63  }
0xc0: {  	s14 =	simm.s32 $0xB800  }
0xc1: {  	[tilespmem:s14], [sflag:$0x3] =	stream.indirect_vreg.gather [hbm4b:s5+s3], $0x80, v3, vm0, $0xb8;
	[tilespmem:$0x11000] =	vst v63  }
0xc2: {  	s14 =	simm.s32 $0xC000  }
0xc3: {  	[tilespmem:s14], [sflag:$0x3] =	stream.indirect_vreg.gather [hbm4b:s6+s3], $0x80, v3, vm0, $0xb8;
	[tilespmem:$0x11000] =	vst v63  }
0xc4: {  	s14 =	simm.s32 $0xC800  }
0xc5: {  	[tilespmem:s14], [sflag:$0x3] =	stream.indirect_vreg.gather [hbm4b:s7+s3], $0x80, v3, vm0, $0xb8;
	[tilespmem:$0x11000] =	vst v63  }
0xc6: {  	_ =	swait.ge [sflag:s29], $0x4000  }
0xc7: {  	[sflag:s29] =	ssyncset.done $0x0  }
0xc8: {  	s4 =	sadd.s32 $0x1800, s4;
	[sflag:s29] =	ssyncadd.s32 $0xFFFFC000  }
0xc9: {  	[hbm4b:s4+s3] =	stream.linear.scatter [tilespmem:s12], [sflag:$0x8], $0x4000, $0x38;
	[tilespmem:$0x11000] =	vst v63  }
0xca: {  	_ =	swait.ge [sflag:s30], $0x4000  }
0xcb: {  	[sflag:s30] =	ssyncset.done $0x0  }
0xcc: {  	[sflag:s30] =	ssyncadd.s32 $0xFFFFC000  }
0xcd: {  	v3 =	vld [tilespmem:s1+$0x0];
	_ =	sdelay $0x4  }
0xce: {  	v63 =	vshll.u32 v3, $0x3  }
0xcf: {  	v3 =	vand.u32 $0x7, v3;
	v4 =	vand.u32 $0xFFFFFFC0, v63  }
0xd0: {  	v3 =	vor.u32 v3, v4  }
0xd1: {  	v4 =	vperm.xlane v3, v0;
	_ =	sdelay $0x1  }
0xd2: {  	v4 =	vadd.s32 v1, v4;
	_ =	sdelay $0x4  }
0xd3: {  	[tilespmem:s12], [sflag:$0x4] =	stream.indirect_vreg.gather [hbm4b:s2+s3], $0x80, v4, vm0, $0xb8;
	[tilespmem:$0x11000] =	vst v63  }
0xd4: {  	s14 =	simm.s32 $0xD800;
	v3 =	vperm.xlane v3, v2  }
0xd5: {  	[tilespmem:s14], [sflag:$0x4] =	stream.indirect_vreg.gather [hbm4b:s5+s3], $0x80, v4, vm0, $0xb8;
	[tilespmem:$0x11000] =	vst v63  }
0xd6: {  	v3 =	vadd.s32 v1, v3;
	s14 =	simm.s32 $0xE000  }
0xd7: {  	[tilespmem:s14], [sflag:$0x4] =	stream.indirect_vreg.gather [hbm4b:s6+s3], $0x80, v4, vm0, $0xb8;
	[tilespmem:$0x11000] =	vst v63  }
0xd8: {  	s14 =	simm.s32 $0xE800  }
0xd9: {  	[tilespmem:s14], [sflag:$0x4] =	stream.indirect_vreg.gather [hbm4b:s7+s3], $0x80, v4, vm0, $0xb8;
	[tilespmem:$0x11000] =	vst v63  }
0xda: {  	s14 =	simm.s32 $0xF000  }
0xdb: {  	[tilespmem:s14], [sflag:$0x4] =	stream.indirect_vreg.gather [hbm4b:s2+s3], $0x80, v3, vm0, $0xb8;
	[tilespmem:$0x11000] =	vst v63  }
0xdc: {  	p0 =	sne.s32 s0, $0xC000  }
0xdd: {  	[tilespmem:s15], [sflag:$0x4] =	stream.indirect_vreg.gather [hbm4b:s5+s3], $0x80, v3, vm0, $0xb8;
	[tilespmem:$0x11000] =	vst v63  }
.Ltmp0:
0xde: {  	_ = 	snop;
	(pc) =	sbr.rel @p0 .LBB2_2-.Ltmp0, $4  }
0xdf: {  	s22 =	simm.s32 $0x1000;
	s0 =	sadd.s32 $0x2000, s0;
	s31 =	simm.s32 $0x5000  }
0xe0: {  	[tilespmem:s19], [sflag:$0x4] =	stream.indirect_vreg.gather [hbm4b:s6+s3], $0x80, v3, vm0, $0xb8;
	[tilespmem:$0x11000] =	vst v63  }
0xe1: {  	s8 =	simm.s32 $0x1800;
	s11 =	simm.s32 $0x9000;
	s1 =	sadd.s32 $0x200, s1  }
0xe2: {  	[tilespmem:s9], [sflag:$0x4] =	stream.indirect_vreg.gather [hbm4b:s7+s3], $0x80, v3, vm0, $0xb8;
	[tilespmem:$0x11000] =	vst v63  }
0xe3: {  	_ =	swait.ge [sflag:s21], $0x4000  }
0xe4: {  	[sflag:s21] =	ssyncset.done $0x0  }
0xe5: {  	s0 =	rddreg [dreg:$0x6];
	[sflag:s21] =	ssyncadd.s32 $0xFFFFC000  }
0xe6: {  	[hbm4b:s0+s3] =	stream.linear.scatter [tilespmem:s22], [sflag:$0x5], $0x4000, $0x38;
	[tilespmem:$0x11000] =	vst v63  }
0xe7: {  	_ =	swait.ge [sflag:s23], $0x4000  }
0xe8: {  	[sflag:s23] =	ssyncset.done $0x0  }
0xe9: {  	[sflag:s23] =	ssyncadd.s32 $0xFFFFC000  }
0xea: {  	_ =	swait.ge [sflag:s24], $0x4000  }
0xeb: {  	[sflag:s24] =	ssyncset.done $0x0  }
0xec: {  	s17 =	rddreg [dreg:$0x7];
	[sflag:s24] =	ssyncadd.s32 $0xFFFFC000  }
0xed: {  	[hbm4b:s17+s3] =	stream.linear.scatter [tilespmem:s31], [sflag:$0x6], $0x4000, $0x38;
	[tilespmem:$0x11000] =	vst v63  }
0xee: {  	_ =	swait.ge [sflag:s25], $0x4000  }
0xef: {  	[sflag:s25] =	ssyncset.done $0x0  }
0xf0: {  	[sflag:s25] =	ssyncadd.s32 $0xFFFFC000  }
0xf1: {  	_ =	swait.ge [sflag:s26], $0x4000  }
0xf2: {  	[sflag:s26] =	ssyncset.done $0x0  }
0xf3: {  	s18 =	rddreg [dreg:$0x8];
	[sflag:s26] =	ssyncadd.s32 $0xFFFFC000  }
0xf4: {  	[hbm4b:s18+s3] =	stream.linear.scatter [tilespmem:s11], [sflag:$0x7], $0x4000, $0x38;
	[tilespmem:$0x11000] =	vst v63  }
0xf5: {  	_ =	swait.ge [sflag:s28], $0x4000  }
0xf6: {  	[sflag:s28] =	ssyncset.done $0x0  }
0xf7: {  	[sflag:s28] =	ssyncadd.s32 $0xFFFFC000  }
0xf8: {  	_ =	swait.ge [sflag:s29], $0x4000  }
0xf9: {  	[sflag:s29] =	ssyncset.done $0x0  }
0xfa: {  	s19 =	rddreg [dreg:$0x9];
	[sflag:s29] =	ssyncadd.s32 $0xFFFFC000  }
0xfb: {  	[hbm4b:s19+s3] =	stream.linear.scatter [tilespmem:s12], [sflag:$0x8], $0x4000, $0x38;
	[tilespmem:$0x11000] =	vst v63  }
0xfc: {  	_ =	swait.ge [sflag:s30], $0x4000  }
0xfd: {  	s1 =	rddreg [dreg:$0xb]  }
0xfe: {  	s20 =	rddreg [dreg:$0xa];
	s1 =	sadd.s32 $0x1, s1  }
0xff: {  	s4 =	simm.s32 $0x2800;
	p0 =	sne.s32 s1, s20  }
.Ltmp1:
0x100: {  	s9 =	simm.s32 $0x3000;
	s10 =	simm.s32 $0x3800;
	(pc) =	sbr.rel @p0 .LBB2_1-.Ltmp1, $4  }
0x101: {  	s13 =	simm.s32 $0x4800;
	s15 =	simm.s32 $0x5800;
	s16 =	simm.s32 $0x6000  }
0x102: {  	s14 =	simm.s32 $0x7800;
	s17 =	simm.s32 $0x6800;
	[sflag:s30] =	ssyncset.done $0x0  }
0x103: {  	s18 =	simm.s32 $0x7000;
	s19 =	simm.s32 $0x4000;
	[sflag:s30] =	ssyncadd.s32 $0xFFFFC000  }
0x104: {  	[dreg:$0xb] =	wrdreg s1;
	s1 =	simm.s32 $0x2000;
	s20 =	simm.s32 $0x8000  }
0x105: {  	_ =	sfence.sel $0x180000  }
0x106: {  	[bflag:$0x0] =	sbarrier.arrive $0xFFFF  }
0x107: {  	_ =	strace $0x90000047  }
0x108: {  	s0 =	stileid.u32;
	[bflag:$0x2] =	sbarrier.arrive $0xFFFF  }
0x109: {  	p0 =	sne.s32 s0, $0x0;
	s0 =	rddreg [dreg:$0x3]  }
0x10a: {  	s0 =	sadd.s32 @!p0 $0x100000, s0  }
0x10b: {  	[sflag:s0] =	ssyncadd.tile.s32 @!p0 $0x1;
	_ =	shalt  }
.Lfunc_end2:
_tile_overlayer_lowered:
.L_overlay_start_2:
0x10c: {  	(tag) =	ssettag $0x2  }
0x10d: {  	s0 =	rddreg [dreg:$0x0];
	s2 =	stileid.u32  }
0x10e: {  	s1 =	rddreg [dreg:$0x1];
	p0 =	sne.s32 s2, $0x0  }
0x10f: {  	s3 =	rddreg [dreg:$0x2];
	[bflag:$0x3] =	sbarrier.arrive $0xFFFF;
	s2 =	simm.s32 @!p0 $0x1C09  }
0x110: {  	[timem:s3], [sflag:s2] =	dma.local @!p0 [hbm:s0], s1  }
0x111: {  	s0 =	simm.s32 @!p0 $0x9  }
0x112: {  	_ =	swait.ge @!p0 [sflag:s0], s1  }
0x113: {  	s1 =	ssub.s32 @!p0 $0x0, s1;
	[sflag:s0] =	ssyncset.done @!p0 $0x0  }
0x114: {  	[sflag:s0] =	ssyncadd.s32 @!p0 s1  }
0x115: {  	[bflag:$0x3] =	sbarrier.arrive $0xFFFF  }
0x116: {  	_ =	shalt  }

</sc_bundles>
